<compile_context>
chip_gen: v7x
topology: tpu7x:2x2x1
jax: 0.10.2.dev20260603
libtpu: 0.0.44.dev20260713+nightly
codegen_flags: <defaults>
</compile_context>

<pallas_src>
import dataclasses

import jax
import jax.numpy as jnp
from jax import lax
from jax.experimental import pallas as pl
from jax.experimental.pallas import tpu as pltpu
from jax.experimental.pallas import tpu_sc as plsc

_N = 10000
_E = 320000
_FEAT = 128
_HID = 256
_HALF = _HID // 2
_K = 128
_NSUB = 16
_ROWS_PER_SUB = 624
_TAIL_BASE = _ROWS_PER_SUB * _NSUB
_TAIL_ROWS = _N - _TAIL_BASE
_NCHUNK = _E // _K
_CHUNK_ITERS = -(-_NCHUNK // _NSUB)
_NCHUNK_PAD = _CHUNK_ITERS * _NSUB + _NSUB - 4
_NBUF = 2
_GROUPS = -(-_CHUNK_ITERS // _NBUF)
_DROWS = 80
_LANES = 16


def _compiler_params():
    cp = pltpu.CompilerParams()
    if "needs_layout_passes" in pltpu.CompilerParams.__dataclass_fields__:
        cp = dataclasses.replace(cp, needs_layout_passes=False)
    return cp


def _seg_body(w0, w1, rc, zval, zdeg, ident, s0_out, s1_out, d0_out, d1_out,
              ibuf, vals, identbuf, degtile, acc, dshared,
              semi0, semi1, semg0, semg1):
    cid = lax.axis_index("c")
    sid = lax.axis_index("s")
    base = sid * _ROWS_PER_SUB
    sl = pl.ds(base, _ROWS_PER_SUB)
    tl = pl.ds(_TAIL_BASE, _TAIL_ROWS)
    semi = (semi0, semi1)
    semg = (semg0, semg1)

    start = sid * (_CHUNK_ITERS - 1) + jnp.minimum(sid, 4)
    cnt = jnp.where(sid < 4, _CHUNK_ITERS, _CHUNK_ITERS - 1)

    for b in range(_NBUF):
        pltpu.async_copy(rc.at[start + b], ibuf.at[b], semi[b])
    pltpu.sync_copy(zval.at[pl.ds(0, _ROWS_PER_SUB)], acc.at[sl])

    @pl.when(sid == _NSUB - 1)
    def _():
        pltpu.sync_copy(zval.at[pl.ds(0, _TAIL_ROWS)], acc.at[tl])

    pltpu.sync_copy(zdeg, degtile)
    pltpu.sync_copy(ident, identbuf)

    @pl.when(sid == 0)
    def _():
        pltpu.sync_copy(zdeg, dshared)

    plsc.subcore_barrier()

    ones = jnp.full((_LANES,), 1.0, jnp.float32)

    @pl.loop(0, _GROUPS)
    def _(p):
        for b in range(_NBUF):
            k = p * _NBUF + b

            @pl.when(k < _CHUNK_ITERS)
            def _(b=b, k=k):
                pltpu.make_async_copy(rc.at[start + k], ibuf.at[b],
                                      semi[b]).wait()

                @pl.when(cid == 0)
                def _():
                    pltpu.async_copy(
                        w0.at[ibuf.at[b, 0]], vals.at[b], semg[b])

                @pl.when(cid == 1)
                def _():
                    pltpu.async_copy(
                        w1.at[ibuf.at[b, 0]], vals.at[b], semg[b])

        for b in range(_NBUF):
            k = p * _NBUF + b

            @pl.when(k < _CHUNK_ITERS)
            def _(b=b, k=k):
                pltpu.make_async_copy(
                    w0.at[ibuf.at[b, 0]], vals.at[b], semg[b]).wait()

            @pl.when(k < cnt)
            def _(b=b, k=k):
                pltpu.sync_copy(vals.at[b], acc.at[ibuf.at[b, 1]],
                                add=True)

                @pl.when(cid == b)
                def _():
                    for m in range(_K // _LANES):
                        iv = ibuf[b, 1, pl.ds(m * _LANES, _LANES)]
                        r = jnp.right_shift(iv, 7)
                        c = jnp.bitwise_and(iv, 127)
                        plsc.addupdate_scatter(degtile, [r, c], ones)

            @pl.when(k + _NBUF < _CHUNK_ITERS)
            def _(b=b, k=k):
                pltpu.async_copy(rc.at[start + k + _NBUF], ibuf.at[b],
                                 semi[b])

    plsc.subcore_barrier()

    pltpu.sync_copy(degtile, dshared.at[identbuf.at[0]], add=True)

    plsc.subcore_barrier()

    @pl.when(sid < _DROWS // 8)
    def _():
        dsl = pl.ds(sid * 8, 8)

        @pl.when(cid == 0)
        def _():
            pltpu.sync_copy(dshared.at[dsl], d0_out.at[dsl])

        @pl.when(cid == 1)
        def _():
            pltpu.sync_copy(dshared.at[dsl], d1_out.at[dsl])

    @pl.when(cid == 0)
    def _():
        pltpu.sync_copy(acc.at[sl], s0_out.at[sl])

        @pl.when(sid == _NSUB - 1)
        def _():
            pltpu.sync_copy(acc.at[tl], s0_out.at[tl])

    @pl.when(cid == 1)
    def _():
        pltpu.sync_copy(acc.at[sl], s1_out.at[sl])

        @pl.when(sid == _NSUB - 1)
        def _():
            pltpu.sync_copy(acc.at[tl], s1_out.at[tl])


def _sc_segment_sum(w0, w1, rc):
    f32 = jnp.float32
    zval = jnp.zeros((_ROWS_PER_SUB, _HALF), f32)
    zdeg = jnp.zeros((_DROWS, 128), f32)
    ident = jnp.arange(_DROWS, dtype=jnp.int32).reshape(1, _DROWS)
    mesh = plsc.VectorSubcoreMesh(core_axis_name="c", subcore_axis_name="s",
                                  num_cores=2, num_subcores=_NSUB)
    fn = pl.kernel(
        _seg_body,
        out_type=[
            jax.ShapeDtypeStruct((_N, _HALF), f32),
            jax.ShapeDtypeStruct((_N, _HALF), f32),
            jax.ShapeDtypeStruct((_DROWS, 128), f32),
            jax.ShapeDtypeStruct((_DROWS, 128), f32),
        ],
        mesh=mesh,
        compiler_params=_compiler_params(),
        scratch_types=[
            pltpu.VMEM((_NBUF, 2, _K), jnp.int32),
            pltpu.VMEM((_NBUF, _K, _HALF), f32),
            pltpu.VMEM((1, _DROWS), jnp.int32),
            pltpu.VMEM((_DROWS, 128), f32),
            pltpu.VMEM_SHARED((_N, _HALF), f32),
            pltpu.VMEM_SHARED((_DROWS, 128), f32),
        ] + [pltpu.SemaphoreType.DMA] * (2 * _NBUF),
    )
    return fn(w0, w1, rc, zval, zdeg, ident)


_BN = 2000


def _dense_x_body(x, w1, b1, ww, wb, ow, ob, u):
    hi = lax.Precision.HIGHEST
    f32 = jnp.float32
    hx = lax.dot_general(x[...], w1[...], (((1,), (1,)), ((), ())),
                         precision=hi, preferred_element_type=f32)
    hx = jnp.maximum(hx + b1[...][None, :], 0.0)
    g1 = lax.dot_general(ww[...][:, :_HID], ow[...], (((0,), (1,)), ((), ())),
                         precision=hi, preferred_element_type=f32)
    cb = lax.dot_general(wb[...][None, :], ow[...], (((1,), (1,)), ((), ())),
                         precision=hi, preferred_element_type=f32)
    y = lax.dot_general(hx, g1, (((1,), (0,)), ((), ())),
                        precision=hi, preferred_element_type=f32)
    u[...] = 2.0 * y + 2.0 * cb + ob[...][None, :]


def _dense_x(X, W1, b1, WW, wb, OW, ob):
    nc = ob.shape[0]
    return pl.pallas_call(
        _dense_x_body,
        grid=(_N // _BN,),
        in_specs=[
            pl.BlockSpec((_BN, _FEAT), lambda i: (i, 0)),
            pl.BlockSpec((_HID, _FEAT), lambda i: (0, 0)),
            pl.BlockSpec((_HID,), lambda i: (0,)),
            pl.BlockSpec((_HID, 2 * _HID), lambda i: (0, 0)),
            pl.BlockSpec((_HID,), lambda i: (0,)),
            pl.BlockSpec((nc, _HID), lambda i: (0, 0)),
            pl.BlockSpec((nc,), lambda i: (0,)),
        ],
        out_specs=pl.BlockSpec((_BN, nc), lambda i: (i, 0)),
        out_shape=jax.ShapeDtypeStruct((_N, nc), jnp.float32),
    )(X, W1, b1, WW, wb, OW, ob)


def _dense_combine_body(u, s0, s1, dg0, dg1, ww, ow, o):
    hi = lax.Precision.HIGHEST
    f32 = jnp.float32
    scale = 1.0 + 1.0 / jnp.maximum(dg0[...] + dg1[...], 1.0)
    ha0 = jnp.maximum(s0[...] * scale, 0.0)
    ha1 = jnp.maximum(s1[...] * scale, 0.0)
    g2 = lax.dot_general(ww[...][:, _HID:], ow[...], (((0,), (1,)), ((), ())),
                         precision=hi, preferred_element_type=f32)
    cat = jnp.concatenate([ha0, ha1], axis=1)
    y = lax.dot_general(cat, g2, (((1,), (0,)), ((), ())),
                        precision=hi, preferred_element_type=f32)
    o[...] = u[...] + 2.0 * y


def _dense_combine(U, s0, s1, dg0, dg1, WW, OW):
    nc = U.shape[1]
    return pl.pallas_call(
        _dense_combine_body,
        grid=(_N // _BN,),
        in_specs=[
            pl.BlockSpec((_BN, nc), lambda i: (i, 0)),
            pl.BlockSpec((_BN, _HALF), lambda i: (i, 0)),
            pl.BlockSpec((_BN, _HALF), lambda i: (i, 0)),
            pl.BlockSpec((_BN, 1), lambda i: (i, 0)),
            pl.BlockSpec((_BN, 1), lambda i: (i, 0)),
            pl.BlockSpec((_HID, 2 * _HID), lambda i: (0, 0)),
            pl.BlockSpec((nc, _HID), lambda i: (0, 0)),
        ],
        out_specs=pl.BlockSpec((_BN, nc), lambda i: (i, 0)),
        out_shape=jax.ShapeDtypeStruct((_N, nc), jnp.float32),
    )(U, s0, s1, dg0, dg1, WW, OW)


def kernel(X, edge_index, MLPX_W, MLPX_b, W_adj, W_W, W_b, out_W, out_b):
    pad = jnp.zeros((_NCHUNK_PAD - _NCHUNK, 2, _K), jnp.int32)
    rc = jnp.concatenate(
        [edge_index.astype(jnp.int32).reshape(2, _NCHUNK, _K).transpose(1, 0, 2),
         pad])
    w0 = W_adj[:, :_HALF]
    w1 = W_adj[:, _HALF:]
    s0, s1, d080, d180 = _sc_segment_sum(w0, w1, rc)
    u = _dense_x(X, MLPX_W, MLPX_b, W_W, W_b, out_W, out_b)
    dg0 = d080.reshape(_DROWS * 128)[:_N].reshape(_N, 1)
    dg1 = d180.reshape(_DROWS * 128)[:_N].reshape(_N, 1)
    return _dense_combine(u, s0, s1, dg0, dg1, W_W, out_W)

# --- scband reference (transcript-rebuilt; emitter-appended) ---
"""Pipeline reference for scband-linkxc-45664092291087 (READ-ONLY COPY).

The authoritative reference and input builder live on the scoring server;
editing this copy changes nothing except your own understanding.
"""

import jax, jax.numpy as jnp
import numpy as np

N_NODES = 10000
N_EDGES = 320000
FEAT_DIM = 128
HIDDEN_DIM = 256
NUM_CLASSES = 64


def setup_inputs(seed: int = 0) -> dict:
    key = jax.random.key(seed)
    ks = jax.random.split(key, 10)
    X = jax.random.normal(ks[0], (N_NODES, FEAT_DIM), dtype=jnp.float32)
    edge_index = jax.random.randint(ks[1], (2, N_EDGES), 0, N_NODES, dtype=jnp.int64)
    # parameters (torch Linear convention: W [out, in], y = x @ W.T + b)
    MLPX_W = jax.random.normal(ks[2], (HIDDEN_DIM, FEAT_DIM), dtype=jnp.float32) * (1.0 / np.sqrt(FEAT_DIM))
    MLPX_b = jnp.zeros((HIDDEN_DIM,), dtype=jnp.float32)
    # W_adj: xavier_uniform over (num_nodes, hidden_dim)
    limit = float(np.sqrt(6.0 / (N_NODES + HIDDEN_DIM)))
    W_adj = jax.random.uniform(ks[3], (N_NODES, HIDDEN_DIM), dtype=jnp.float32, minval=-limit, maxval=limit)
    W_W = jax.random.normal(ks[4], (HIDDEN_DIM, 2 * HIDDEN_DIM), dtype=jnp.float32) * (1.0 / np.sqrt(2 * HIDDEN_DIM))
    W_b = jnp.zeros((HIDDEN_DIM,), dtype=jnp.float32)
    out_W = jax.random.normal(ks[5], (NUM_CLASSES, HIDDEN_DIM), dtype=jnp.float32) * (1.0 / np.sqrt(HIDDEN_DIM))
    out_b = jnp.zeros((NUM_CLASSES,), dtype=jnp.float32)
    return {"X": X, "edge_index": edge_index, "MLPX_W": MLPX_W, "MLPX_b": MLPX_b,
            "W_adj": W_adj, "W_W": W_W, "W_b": W_b, "out_W": out_W, "out_b": out_b}


def compute_HA(edge_index, W_adj):
    # batch_nodes is None in forward -> batch_nodes = arange(N), so the isin mask
    # is all-True and batch_map is the identity; col indexes directly into HA.
    row = edge_index[0]
    col = edge_index[1]
    N = W_adj.shape[0]
    vals = W_adj[row]  # gather [E, hidden]
    HA = jax.ops.segment_sum(vals, col, num_segments=N)  # scatter-add
    deg = jax.ops.segment_sum(jnp.ones_like(col, dtype=jnp.float32), col, num_segments=N)
    deg = jnp.clip(deg, 1.0, None)[:, None]
    HA = HA / deg
    # second index_add_ after the division (faithful to the original code)
    HA = HA + jax.ops.segment_sum(vals, col, num_segments=N)
    return HA


def reference(X, edge_index, MLPX_W, MLPX_b, W_adj, W_W, W_b, out_W, out_b):
    # full-batch path: batch_nodes = arange(N), X_batch = X
    HX = jax.nn.relu(X @ MLPX_W.T + MLPX_b)
    HA = jax.nn.relu(compute_HA(edge_index, W_adj))
    cat = jnp.concatenate([HX, HA], axis=1)
    res = cat @ W_W.T + W_b
    H = cat @ W_W.T + W_b  # embeddings == residuals, computed twice faithfully
    H = H + res
    # dropout p=0.0 / eval mode -> identity
    return H @ out_W.T + out_b

if __name__ == "__main__":
    import jax
    _d = setup_inputs()
    print(jax.jit(kernel)(*tuple(_d.values())))

</pallas_src>

<mosaic_0001>
#map = affine_map<(d0, d1) -> (0, 0)>
#map1 = affine_map<(d0, d1) -> (0, 0, 0)>
module attributes {stable_mosaic.version = 14 : i64} {
  func.func @_seg_body(%arg0: i32, %arg1: i32, %arg2: memref<10000x128xf32, #tpu.memory_space<hbm>>, %arg3: memref<10000x128xf32, #tpu.memory_space<hbm>>, %arg4: memref<2524x2x128xi32, #tpu.memory_space<hbm>>, %arg5: memref<624x128xf32, #tpu.memory_space<hbm>>, %arg6: memref<80x128xf32, #tpu.memory_space<hbm>>, %arg7: memref<1x80xi32, #tpu.memory_space<hbm>>, %arg8: memref<10000x128xf32, #tpu.memory_space<hbm>>, %arg9: memref<10000x128xf32, #tpu.memory_space<hbm>>, %arg10: memref<80x128xf32, #tpu.memory_space<hbm>>, %arg11: memref<80x128xf32, #tpu.memory_space<hbm>>, %arg12: memref<2x2x128xi32, #tpu.memory_space<vmem>>, %arg13: memref<2x128x128xf32, #tpu.memory_space<vmem>>, %arg14: memref<1x80xi32, #tpu.memory_space<vmem>>, %arg15: memref<80x128xf32, #tpu.memory_space<vmem>>, %arg16: memref<10000x128xf32, #tpu.memory_space<vmem_shared>>, %arg17: memref<80x128xf32, #tpu.memory_space<vmem_shared>>, %arg18: memref<!tpu.dma_semaphore, #tpu.memory_space<semaphore_mem>>, %arg19: memref<!tpu.dma_semaphore, #tpu.memory_space<semaphore_mem>>, %arg20: memref<!tpu.dma_semaphore, #tpu.memory_space<semaphore_mem>>, %arg21: memref<!tpu.dma_semaphore, #tpu.memory_space<semaphore_mem>>) attributes {dimension_semantics = [#tpu.dimension_semantics<core_parallel>, #tpu.dimension_semantics<subcore_parallel>], iteration_bounds = array<i64: 2, 16>, scalar_prefetch = 0 : i64, scratch_operands = 10 : i64, tpu.core_type = #tpu.core_type<sc_vector_subcore>, window_params = [{transform_indices = #map}, {transform_indices = #map}, {transform_indices = #map1}, {transform_indices = #map}, {transform_indices = #map}, {transform_indices = #map}, {transform_indices = #map}, {transform_indices = #map}, {transform_indices = #map}, {transform_indices = #map}]} {
    %mul3A = arith.constant 624 : i32
    %mul3A_0 = arith.muli %arg1, %mul3A : i32
    %mul3A_1 = arith.constant 156 : i32
    %mul3A_2 = arith.muli %arg1, %mul3A_1 : i32
    %min3A = arith.constant 4 : i32
    %min3A_3 = arith.minsi %arg1, %min3A : i32
    %add3A = arith.addi %mul3A_2, %min3A_3 : i32
    %lt3A = arith.constant 4 : i32
    %lt3A_4 = arith.cmpi slt, %arg1, %lt3A : i32
    %jit3A = arith.constant 157 : i32
    %jit3A_5 = arith.constant 156 : i32
    %select_n3A = arith.select %lt3A_4, %jit3A, %jit3A_5 : i32
    %add3A_6 = arith.constant 0 : i32
    %add3A_7 = arith.addi %add3A, %add3A_6 : i32
    %dma_start3A = arith.constant 0 : i32
    %dma_start3A_8 = arith.constant 0 : i32
    %dma_start3A_9 = arith.constant 0 : i32
    %dma_start3A_10 = tpu.memref_slice %arg12[%dma_start3A, %dma_start3A_8, %dma_start3A_9] : memref<2x2x128xi32, #tpu.memory_space<vmem>> -> memref<1x2x128xi32, #tpu.memory_space<vmem>>
    %dma_start3A_11 = tpu.memref_squeeze %dma_start3A_10 : memref<1x2x128xi32, #tpu.memory_space<vmem>> -> memref<2x128xi32, #tpu.memory_space<vmem>>
    %dma_start3A_12 = arith.constant 0 : i32
    %dma_start3A_13 = arith.constant 0 : i32
    %dma_start3A_14 = tpu.memref_slice %arg4[%add3A_7, %dma_start3A_12, %dma_start3A_13] : memref<2524x2x128xi32, #tpu.memory_space<hbm>> -> memref<1x2x128xi32, #tpu.memory_space<hbm>>
    %dma_start3A_15 = tpu.memref_squeeze %dma_start3A_14 : memref<1x2x128xi32, #tpu.memory_space<hbm>> -> memref<2x128xi32, #tpu.memory_space<hbm>>
    %dma_start3A_16 = arith.constant 0 : i32
    %dma_start3A_17 = arith.constant 0 : i32
    %dma_start3A_18 = tpu.memref_slice %arg12[%dma_start3A, %dma_start3A_16, %dma_start3A_17] : memref<2x2x128xi32, #tpu.memory_space<vmem>> -> memref<1x2x128xi32, #tpu.memory_space<vmem>>
    %dma_start3A_19 = tpu.memref_squeeze %dma_start3A_18 : memref<1x2x128xi32, #tpu.memory_space<vmem>> -> memref<2x128xi32, #tpu.memory_space<vmem>>
    %dma_start3A_20 = arith.constant 0 : i32
    %dma_start3A_21 = arith.constant 0 : i32
    %dma_start3A_22 = tpu.memref_slice %arg4[%add3A_7, %dma_start3A_20, %dma_start3A_21] : memref<2524x2x128xi32, #tpu.memory_space<hbm>> -> memref<1x2x128xi32, #tpu.memory_space<hbm>>
    %dma_start3A_23 = tpu.memref_squeeze %dma_start3A_22 : memref<1x2x128xi32, #tpu.memory_space<hbm>> -> memref<2x128xi32, #tpu.memory_space<hbm>>
    tpu.enqueue_dma source(%dma_start3A_23 : memref<2x128xi32, #tpu.memory_space<hbm>>) target(%dma_start3A_19 : memref<2x128xi32, #tpu.memory_space<vmem>>) target_semaphore(%arg18 : memref<!tpu.dma_semaphore, #tpu.memory_space<semaphore_mem>>)
    %add3A_24 = arith.constant 1 : i32
    %add3A_25 = arith.addi %add3A, %add3A_24 : i32
    %dma_start3A_26 = arith.constant 1 : i32
    %dma_start3A_27 = arith.constant 0 : i32
    %dma_start3A_28 = arith.constant 0 : i32
    %dma_start3A_29 = tpu.memref_slice %arg12[%dma_start3A_26, %dma_start3A_27, %dma_start3A_28] : memref<2x2x128xi32, #tpu.memory_space<vmem>> -> memref<1x2x128xi32, #tpu.memory_space<vmem>>
    %dma_start3A_30 = tpu.memref_squeeze %dma_start3A_29 : memref<1x2x128xi32, #tpu.memory_space<vmem>> -> memref<2x128xi32, #tpu.memory_space<vmem>>
    %dma_start3A_31 = arith.constant 0 : i32
    %dma_start3A_32 = arith.constant 0 : i32
    %dma_start3A_33 = tpu.memref_slice %arg4[%add3A_25, %dma_start3A_31, %dma_start3A_32] : memref<2524x2x128xi32, #tpu.memory_space<hbm>> -> memref<1x2x128xi32, #tpu.memory_space<hbm>>
    %dma_start3A_34 = tpu.memref_squeeze %dma_start3A_33 : memref<1x2x128xi32, #tpu.memory_space<hbm>> -> memref<2x128xi32, #tpu.memory_space<hbm>>
    %dma_start3A_35 = arith.constant 0 : i32
    %dma_start3A_36 = arith.constant 0 : i32
    %dma_start3A_37 = tpu.memref_slice %arg12[%dma_start3A_26, %dma_start3A_35, %dma_start3A_36] : memref<2x2x128xi32, #tpu.memory_space<vmem>> -> memref<1x2x128xi32, #tpu.memory_space<vmem>>
    %dma_start3A_38 = tpu.memref_squeeze %dma_start3A_37 : memref<1x2x128xi32, #tpu.memory_space<vmem>> -> memref<2x128xi32, #tpu.memory_space<vmem>>
    %dma_start3A_39 = arith.constant 0 : i32
    %dma_start3A_40 = arith.constant 0 : i32
    %dma_start3A_41 = tpu.memref_slice %arg4[%add3A_25, %dma_start3A_39, %dma_start3A_40] : memref<2524x2x128xi32, #tpu.memory_space<hbm>> -> memref<1x2x128xi32, #tpu.memory_space<hbm>>
    %dma_start3A_42 = tpu.memref_squeeze %dma_start3A_41 : memref<1x2x128xi32, #tpu.memory_space<hbm>> -> memref<2x128xi32, #tpu.memory_space<hbm>>
    tpu.enqueue_dma source(%dma_start3A_42 : memref<2x128xi32, #tpu.memory_space<hbm>>) target(%dma_start3A_38 : memref<2x128xi32, #tpu.memory_space<vmem>>) target_semaphore(%arg19 : memref<!tpu.dma_semaphore, #tpu.memory_space<semaphore_mem>>)
    "tpu.region"() ({
      %run_scoped3A_72 = tpu.sem_alloc : memref<!tpu.dma_semaphore, #tpu.memory_space<semaphore_mem>>
      %dma_start3A_73 = arith.constant 0 : i32
      %dma_start3A_74 = tpu.memref_slice %arg16[%mul3A_0, %dma_start3A_73] : memref<10000x128xf32, #tpu.memory_space<vmem_shared>> -> memref<624x128xf32, #tpu.memory_space<vmem_shared>>
      %dma_start3A_75 = arith.constant 0 : i32
      %dma_start3A_76 = arith.constant 0 : i32
      %dma_start3A_77 = tpu.memref_slice %arg5[%dma_start3A_75, %dma_start3A_76] : memref<624x128xf32, #tpu.memory_space<hbm>> -> memref<624x128xf32, #tpu.memory_space<hbm>>
      tpu.enqueue_dma source(%dma_start3A_77 : memref<624x128xf32, #tpu.memory_space<hbm>>) target(%dma_start3A_74 : memref<624x128xf32, #tpu.memory_space<vmem_shared>>) target_semaphore(%run_scoped3A_72 : memref<!tpu.dma_semaphore, #tpu.memory_space<semaphore_mem>>)
      %dma_wait3A = arith.constant 0 : i32
      %dma_wait3A_78 = tpu.memref_slice %arg16[%mul3A_0, %dma_wait3A] : memref<10000x128xf32, #tpu.memory_space<vmem_shared>> -> memref<624x128xf32, #tpu.memory_space<vmem_shared>>
      %dma_wait3A_79 = arith.constant 0 : i32
      %dma_wait3A_80 = arith.constant 0 : i32
      %dma_wait3A_81 = tpu.memref_slice %arg5[%dma_wait3A_79, %dma_wait3A_80] : memref<624x128xf32, #tpu.memory_space<hbm>> -> memref<624x128xf32, #tpu.memory_space<hbm>>
      tpu.wait_dma2 semaphore(%run_scoped3A_72 : memref<!tpu.dma_semaphore, #tpu.memory_space<semaphore_mem>>) src(%dma_wait3A_81 : memref<624x128xf32, #tpu.memory_space<hbm>>) dst(%dma_wait3A_78 : memref<624x128xf32, #tpu.memory_space<vmem_shared>>)
      tpu.yield
    }) : () -> ()
    %eq3A = arith.constant 15 : i32
    %eq3A_43 = arith.cmpi eq, %arg1, %eq3A : i32
    %convert_element_type3A = arith.extui %eq3A_43 : i1 to i32
    %cond3A = arith.constant 0 : i32
    %cond3A_44 = arith.cmpi ne, %convert_element_type3A, %cond3A : i32
    scf.if %cond3A_44 {
      "tpu.region"() ({
        %run_scoped3A_72 = tpu.sem_alloc : memref<!tpu.dma_semaphore, #tpu.memory_space<semaphore_mem>>
        %dma_start3A_73 = arith.constant 9984 : i32
        %dma_start3A_74 = arith.constant 0 : i32
        %dma_start3A_75 = tpu.memref_slice %arg16[%dma_start3A_73, %dma_start3A_74] : memref<10000x128xf32, #tpu.memory_space<vmem_shared>> -> memref<16x128xf32, #tpu.memory_space<vmem_shared>>
        %dma_start3A_76 = arith.constant 0 : i32
        %dma_start3A_77 = arith.constant 0 : i32
        %dma_start3A_78 = tpu.memref_slice %arg5[%dma_start3A_76, %dma_start3A_77] : memref<624x128xf32, #tpu.memory_space<hbm>> -> memref<16x128xf32, #tpu.memory_space<hbm>>
        tpu.enqueue_dma source(%dma_start3A_78 : memref<16x128xf32, #tpu.memory_space<hbm>>) target(%dma_start3A_75 : memref<16x128xf32, #tpu.memory_space<vmem_shared>>) target_semaphore(%run_scoped3A_72 : memref<!tpu.dma_semaphore, #tpu.memory_space<semaphore_mem>>)
        %dma_wait3A = arith.constant 9984 : i32
        %dma_wait3A_79 = arith.constant 0 : i32
        %dma_wait3A_80 = tpu.memref_slice %arg16[%dma_wait3A, %dma_wait3A_79] : memref<10000x128xf32, #tpu.memory_space<vmem_shared>> -> memref<16x128xf32, #tpu.memory_space<vmem_shared>>
        %dma_wait3A_81 = arith.constant 0 : i32
        %dma_wait3A_82 = arith.constant 0 : i32
        %dma_wait3A_83 = tpu.memref_slice %arg5[%dma_wait3A_81, %dma_wait3A_82] : memref<624x128xf32, #tpu.memory_space<hbm>> -> memref<16x128xf32, #tpu.memory_space<hbm>>
        tpu.wait_dma2 semaphore(%run_scoped3A_72 : memref<!tpu.dma_semaphore, #tpu.memory_space<semaphore_mem>>) src(%dma_wait3A_83 : memref<16x128xf32, #tpu.memory_space<hbm>>) dst(%dma_wait3A_80 : memref<16x128xf32, #tpu.memory_space<vmem_shared>>)
        tpu.yield
      }) : () -> ()
    } else {
    }
    "tpu.region"() ({
      %run_scoped3A_72 = tpu.sem_alloc : memref<!tpu.dma_semaphore, #tpu.memory_space<semaphore_mem>>
      tpu.enqueue_dma source(%arg6 : memref<80x128xf32, #tpu.memory_space<hbm>>) target(%arg15 : memref<80x128xf32, #tpu.memory_space<vmem>>) target_semaphore(%run_scoped3A_72 : memref<!tpu.dma_semaphore, #tpu.memory_space<semaphore_mem>>)
      tpu.wait_dma2 semaphore(%run_scoped3A_72 : memref<!tpu.dma_semaphore, #tpu.memory_space<semaphore_mem>>) src(%arg6 : memref<80x128xf32, #tpu.memory_space<hbm>>) dst(%arg15 : memref<80x128xf32, #tpu.memory_space<vmem>>)
      tpu.yield
    }) : () -> ()
    "tpu.region"() ({
      %run_scoped3A_72 = tpu.sem_alloc : memref<!tpu.dma_semaphore, #tpu.memory_space<semaphore_mem>>
      tpu.enqueue_dma source(%arg7 : memref<1x80xi32, #tpu.memory_space<hbm>>) target(%arg14 : memref<1x80xi32, #tpu.memory_space<vmem>>) target_semaphore(%run_scoped3A_72 : memref<!tpu.dma_semaphore, #tpu.memory_space<semaphore_mem>>)
      tpu.wait_dma2 semaphore(%run_scoped3A_72 : memref<!tpu.dma_semaphore, #tpu.memory_space<semaphore_mem>>) src(%arg7 : memref<1x80xi32, #tpu.memory_space<hbm>>) dst(%arg14 : memref<1x80xi32, #tpu.memory_space<vmem>>)
      tpu.yield
    }) : () -> ()
    %eq3A_45 = arith.constant 0 : i32
    %eq3A_46 = arith.cmpi eq, %arg1, %eq3A_45 : i32
    %convert_element_type3A_47 = arith.extui %eq3A_46 : i1 to i32
    %cond3A_48 = arith.constant 0 : i32
    %cond3A_49 = arith.cmpi ne, %convert_element_type3A_47, %cond3A_48 : i32
    scf.if %cond3A_49 {
      "tpu.region"() ({
        %run_scoped3A_72 = tpu.sem_alloc : memref<!tpu.dma_semaphore, #tpu.memory_space<semaphore_mem>>
        tpu.enqueue_dma source(%arg6 : memref<80x128xf32, #tpu.memory_space<hbm>>) target(%arg17 : memref<80x128xf32, #tpu.memory_space<vmem_shared>>) target_semaphore(%run_scoped3A_72 : memref<!tpu.dma_semaphore, #tpu.memory_space<semaphore_mem>>)
        tpu.wait_dma2 semaphore(%run_scoped3A_72 : memref<!tpu.dma_semaphore, #tpu.memory_space<semaphore_mem>>) src(%arg6 : memref<80x128xf32, #tpu.memory_space<hbm>>) dst(%arg17 : memref<80x128xf32, #tpu.memory_space<vmem_shared>>)
        tpu.yield
      }) : () -> ()
    } else {
    }
    %barrier3A = arith.constant 0 : index
    tpu.barrier barrier_id(%barrier3A)
    %broadcast_in_dim3A = arith.constant 1.000000e+00 : f32
    %broadcast_in_dim3A_50 = vector.broadcast %broadcast_in_dim3A : f32 to vector<16xf32>
    %scan3A = arith.constant 0 : i32
    %scan3A_51 = arith.constant 79 : i32
    %scan3A_52 = arith.addi %scan3A, %scan3A_51 : i32
    %scan3A_53 = arith.constant 1 : i32
    scf.for %scan3A_72 = %scan3A to %scan3A_52 step %scan3A_53  : i32 {
      %mul3A_73 = arith.constant 1 : i32
      %mul3A_74 = arith.muli %scan3A_72, %mul3A_73 : i32
      %add3A_75 = arith.constant 0 : i32
      %add3A_76 = arith.addi %add3A_75, %mul3A_74 : i32
      %mul3A_77 = arith.constant 2 : i32
      %mul3A_78 = arith.muli %add3A_76, %mul3A_77 : i32
      %add3A_79 = arith.constant 0 : i32
      %add3A_80 = arith.addi %mul3A_78, %add3A_79 : i32
      %lt3A_81 = arith.constant 157 : i32
      %lt3A_82 = arith.cmpi slt, %add3A_80, %lt3A_81 : i32
      %convert_element_type3A_83 = arith.extui %lt3A_82 : i1 to i32
      %cond3A_84 = arith.constant 0 : i32
      %cond3A_85 = arith.cmpi ne, %convert_element_type3A_83, %cond3A_84 : i32
      scf.if %cond3A_85 {
        %add3A_135 = arith.addi %add3A, %add3A_80 : i32
        %dma_wait3A = arith.constant 0 : i32
        %dma_wait3A_136 = arith.constant 0 : i32
        %dma_wait3A_137 = arith.constant 0 : i32
        %dma_wait3A_138 = tpu.memref_slice %arg12[%dma_wait3A, %dma_wait3A_136, %dma_wait3A_137] : memref<2x2x128xi32, #tpu.memory_space<vmem>> -> memref<1x2x128xi32, #tpu.memory_space<vmem>>
        %dma_wait3A_139 = tpu.memref_squeeze %dma_wait3A_138 : memref<1x2x128xi32, #tpu.memory_space<vmem>> -> memref<2x128xi32, #tpu.memory_space<vmem>>
        %dma_wait3A_140 = arith.constant 0 : i32
        %dma_wait3A_141 = arith.constant 0 : i32
        %dma_wait3A_142 = tpu.memref_slice %arg4[%add3A_135, %dma_wait3A_140, %dma_wait3A_141] : memref<2524x2x128xi32, #tpu.memory_space<hbm>> -> memref<1x2x128xi32, #tpu.memory_space<hbm>>
        %dma_wait3A_143 = tpu.memref_squeeze %dma_wait3A_142 : memref<1x2x128xi32, #tpu.memory_space<hbm>> -> memref<2x128xi32, #tpu.memory_space<hbm>>
        %dma_wait3A_144 = arith.constant 0 : i32
        %dma_wait3A_145 = arith.constant 0 : i32
        %dma_wait3A_146 = tpu.memref_slice %arg12[%dma_wait3A, %dma_wait3A_144, %dma_wait3A_145] : memref<2x2x128xi32, #tpu.memory_space<vmem>> -> memref<1x2x128xi32, #tpu.memory_space<vmem>>
        %dma_wait3A_147 = tpu.memref_squeeze %dma_wait3A_146 : memref<1x2x128xi32, #tpu.memory_space<vmem>> -> memref<2x128xi32, #tpu.memory_space<vmem>>
        %dma_wait3A_148 = arith.constant 0 : i32
        %dma_wait3A_149 = arith.constant 0 : i32
        %dma_wait3A_150 = tpu.memref_slice %arg4[%add3A_135, %dma_wait3A_148, %dma_wait3A_149] : memref<2524x2x128xi32, #tpu.memory_space<hbm>> -> memref<1x2x128xi32, #tpu.memory_space<hbm>>
        %dma_wait3A_151 = tpu.memref_squeeze %dma_wait3A_150 : memref<1x2x128xi32, #tpu.memory_space<hbm>> -> memref<2x128xi32, #tpu.memory_space<hbm>>
        tpu.wait_dma2 semaphore(%arg18 : memref<!tpu.dma_semaphore, #tpu.memory_space<semaphore_mem>>) src(%dma_wait3A_151 : memref<2x128xi32, #tpu.memory_space<hbm>>) dst(%dma_wait3A_147 : memref<2x128xi32, #tpu.memory_space<vmem>>)
        %eq3A_152 = arith.constant 0 : i32
        %eq3A_153 = arith.cmpi eq, %arg0, %eq3A_152 : i32
        %convert_element_type3A_154 = arith.extui %eq3A_153 : i1 to i32
        %cond3A_155 = arith.constant 0 : i32
        %cond3A_156 = arith.cmpi ne, %convert_element_type3A_154, %cond3A_155 : i32
        scf.if %cond3A_156 {
          %dma_start3A_162 = arith.constant 0 : i32
          %dma_start3A_163 = arith.constant 0 : i32
          %dma_start3A_164 = arith.constant 0 : i32
          %dma_start3A_165 = arith.constant 0 : i32
          %dma_start3A_166 = arith.constant 0 : i32
          %dma_start3A_167 = tpu.memref_slice %arg13[%dma_start3A_164, %dma_start3A_165, %dma_start3A_166] : memref<2x128x128xf32, #tpu.memory_space<vmem>> -> memref<1x128x128xf32, #tpu.memory_space<vmem>>
          %dma_start3A_168 = tpu.memref_squeeze %dma_start3A_167 : memref<1x128x128xf32, #tpu.memory_space<vmem>> -> memref<128x128xf32, #tpu.memory_space<vmem>>
          %dma_start3A_169 = arith.constant 0 : i32
          %dma_start3A_170 = tpu.memref_slice %arg12[%dma_start3A_162, %dma_start3A_163, %dma_start3A_169] : memref<2x2x128xi32, #tpu.memory_space<vmem>> -> memref<1x1x128xi32, #tpu.memory_space<vmem>>
          %dma_start3A_171 = tpu.memref_squeeze %dma_start3A_170 : memref<1x1x128xi32, #tpu.memory_space<vmem>> -> memref<128xi32, #tpu.memory_space<vmem>>
          %dma_start3A_172 = arith.constant 0 : i32
          %dma_start3A_173 = arith.constant 0 : i32
          %dma_start3A_174 = tpu.memref_slice %arg2[%dma_start3A_172, %dma_start3A_173] : memref<10000x128xf32, #tpu.memory_space<hbm>> -> memref<10000x128xf32, #tpu.memory_space<hbm>>
          tpu.enqueue_indirect_dma source(%dma_start3A_174 : memref<10000x128xf32, #tpu.memory_space<hbm>>) target(%dma_start3A_168 : memref<128x128xf32, #tpu.memory_space<vmem>>) offsets(%dma_start3A_171 : memref<128xi32, #tpu.memory_space<vmem>>) semaphore(%arg20 : memref<!tpu.dma_semaphore, #tpu.memory_space<semaphore_mem>>)
        } else {
        }
        %eq3A_157 = arith.constant 1 : i32
        %eq3A_158 = arith.cmpi eq, %arg0, %eq3A_157 : i32
        %convert_element_type3A_159 = arith.extui %eq3A_158 : i1 to i32
        %cond3A_160 = arith.constant 0 : i32
        %cond3A_161 = arith.cmpi ne, %convert_element_type3A_159, %cond3A_160 : i32
        scf.if %cond3A_161 {
          %dma_start3A_162 = arith.constant 0 : i32
          %dma_start3A_163 = arith.constant 0 : i32
          %dma_start3A_164 = arith.constant 0 : i32
          %dma_start3A_165 = arith.constant 0 : i32
          %dma_start3A_166 = arith.constant 0 : i32
          %dma_start3A_167 = tpu.memref_slice %arg13[%dma_start3A_164, %dma_start3A_165, %dma_start3A_166] : memref<2x128x128xf32, #tpu.memory_space<vmem>> -> memref<1x128x128xf32, #tpu.memory_space<vmem>>
          %dma_start3A_168 = tpu.memref_squeeze %dma_start3A_167 : memref<1x128x128xf32, #tpu.memory_space<vmem>> -> memref<128x128xf32, #tpu.memory_space<vmem>>
          %dma_start3A_169 = arith.constant 0 : i32
          %dma_start3A_170 = tpu.memref_slice %arg12[%dma_start3A_162, %dma_start3A_163, %dma_start3A_169] : memref<2x2x128xi32, #tpu.memory_space<vmem>> -> memref<1x1x128xi32, #tpu.memory_space<vmem>>
          %dma_start3A_171 = tpu.memref_squeeze %dma_start3A_170 : memref<1x1x128xi32, #tpu.memory_space<vmem>> -> memref<128xi32, #tpu.memory_space<vmem>>
          %dma_start3A_172 = arith.constant 0 : i32
          %dma_start3A_173 = arith.constant 0 : i32
          %dma_start3A_174 = tpu.memref_slice %arg3[%dma_start3A_172, %dma_start3A_173] : memref<10000x128xf32, #tpu.memory_space<hbm>> -> memref<10000x128xf32, #tpu.memory_space<hbm>>
          tpu.enqueue_indirect_dma source(%dma_start3A_174 : memref<10000x128xf32, #tpu.memory_space<hbm>>) target(%dma_start3A_168 : memref<128x128xf32, #tpu.memory_space<vmem>>) offsets(%dma_start3A_171 : memref<128xi32, #tpu.memory_space<vmem>>) semaphore(%arg20 : memref<!tpu.dma_semaphore, #tpu.memory_space<semaphore_mem>>)
        } else {
        }
      } else {
      }
      %mul3A_86 = arith.constant 2 : i32
      %mul3A_87 = arith.muli %add3A_76, %mul3A_86 : i32
      %add3A_88 = arith.constant 1 : i32
      %add3A_89 = arith.addi %mul3A_87, %add3A_88 : i32
      %lt3A_90 = arith.constant 157 : i32
      %lt3A_91 = arith.cmpi slt, %add3A_89, %lt3A_90 : i32
      %convert_element_type3A_92 = arith.extui %lt3A_91 : i1 to i32
      %cond3A_93 = arith.constant 0 : i32
      %cond3A_94 = arith.cmpi ne, %convert_element_type3A_92, %cond3A_93 : i32
      scf.if %cond3A_94 {
        %add3A_135 = arith.addi %add3A, %add3A_89 : i32
        %dma_wait3A = arith.constant 1 : i32
        %dma_wait3A_136 = arith.constant 0 : i32
        %dma_wait3A_137 = arith.constant 0 : i32
        %dma_wait3A_138 = tpu.memref_slice %arg12[%dma_wait3A, %dma_wait3A_136, %dma_wait3A_137] : memref<2x2x128xi32, #tpu.memory_space<vmem>> -> memref<1x2x128xi32, #tpu.memory_space<vmem>>
        %dma_wait3A_139 = tpu.memref_squeeze %dma_wait3A_138 : memref<1x2x128xi32, #tpu.memory_space<vmem>> -> memref<2x128xi32, #tpu.memory_space<vmem>>
        %dma_wait3A_140 = arith.constant 0 : i32
        %dma_wait3A_141 = arith.constant 0 : i32
        %dma_wait3A_142 = tpu.memref_slice %arg4[%add3A_135, %dma_wait3A_140, %dma_wait3A_141] : memref<2524x2x128xi32, #tpu.memory_space<hbm>> -> memref<1x2x128xi32, #tpu.memory_space<hbm>>
        %dma_wait3A_143 = tpu.memref_squeeze %dma_wait3A_142 : memref<1x2x128xi32, #tpu.memory_space<hbm>> -> memref<2x128xi32, #tpu.memory_space<hbm>>
        %dma_wait3A_144 = arith.constant 0 : i32
        %dma_wait3A_145 = arith.constant 0 : i32
        %dma_wait3A_146 = tpu.memref_slice %arg12[%dma_wait3A, %dma_wait3A_144, %dma_wait3A_145] : memref<2x2x128xi32, #tpu.memory_space<vmem>> -> memref<1x2x128xi32, #tpu.memory_space<vmem>>
        %dma_wait3A_147 = tpu.memref_squeeze %dma_wait3A_146 : memref<1x2x128xi32, #tpu.memory_space<vmem>> -> memref<2x128xi32, #tpu.memory_space<vmem>>
        %dma_wait3A_148 = arith.constant 0 : i32
        %dma_wait3A_149 = arith.constant 0 : i32
        %dma_wait3A_150 = tpu.memref_slice %arg4[%add3A_135, %dma_wait3A_148, %dma_wait3A_149] : memref<2524x2x128xi32, #tpu.memory_space<hbm>> -> memref<1x2x128xi32, #tpu.memory_space<hbm>>
        %dma_wait3A_151 = tpu.memref_squeeze %dma_wait3A_150 : memref<1x2x128xi32, #tpu.memory_space<hbm>> -> memref<2x128xi32, #tpu.memory_space<hbm>>
        tpu.wait_dma2 semaphore(%arg19 : memref<!tpu.dma_semaphore, #tpu.memory_space<semaphore_mem>>) src(%dma_wait3A_151 : memref<2x128xi32, #tpu.memory_space<hbm>>) dst(%dma_wait3A_147 : memref<2x128xi32, #tpu.memory_space<vmem>>)
        %eq3A_152 = arith.constant 0 : i32
        %eq3A_153 = arith.cmpi eq, %arg0, %eq3A_152 : i32
        %convert_element_type3A_154 = arith.extui %eq3A_153 : i1 to i32
        %cond3A_155 = arith.constant 0 : i32
        %cond3A_156 = arith.cmpi ne, %convert_element_type3A_154, %cond3A_155 : i32
        scf.if %cond3A_156 {
          %dma_start3A_162 = arith.constant 1 : i32
          %dma_start3A_163 = arith.constant 0 : i32
          %dma_start3A_164 = arith.constant 1 : i32
          %dma_start3A_165 = arith.constant 0 : i32
          %dma_start3A_166 = arith.constant 0 : i32
          %dma_start3A_167 = tpu.memref_slice %arg13[%dma_start3A_164, %dma_start3A_165, %dma_start3A_166] : memref<2x128x128xf32, #tpu.memory_space<vmem>> -> memref<1x128x128xf32, #tpu.memory_space<vmem>>
          %dma_start3A_168 = tpu.memref_squeeze %dma_start3A_167 : memref<1x128x128xf32, #tpu.memory_space<vmem>> -> memref<128x128xf32, #tpu.memory_space<vmem>>
          %dma_start3A_169 = arith.constant 0 : i32
          %dma_start3A_170 = tpu.memref_slice %arg12[%dma_start3A_162, %dma_start3A_163, %dma_start3A_169] : memref<2x2x128xi32, #tpu.memory_space<vmem>> -> memref<1x1x128xi32, #tpu.memory_space<vmem>>
          %dma_start3A_171 = tpu.memref_squeeze %dma_start3A_170 : memref<1x1x128xi32, #tpu.memory_space<vmem>> -> memref<128xi32, #tpu.memory_space<vmem>>
          %dma_start3A_172 = arith.constant 0 : i32
          %dma_start3A_173 = arith.constant 0 : i32
          %dma_start3A_174 = tpu.memref_slice %arg2[%dma_start3A_172, %dma_start3A_173] : memref<10000x128xf32, #tpu.memory_space<hbm>> -> memref<10000x128xf32, #tpu.memory_space<hbm>>
          tpu.enqueue_indirect_dma source(%dma_start3A_174 : memref<10000x128xf32, #tpu.memory_space<hbm>>) target(%dma_start3A_168 : memref<128x128xf32, #tpu.memory_space<vmem>>) offsets(%dma_start3A_171 : memref<128xi32, #tpu.memory_space<vmem>>) semaphore(%arg21 : memref<!tpu.dma_semaphore, #tpu.memory_space<semaphore_mem>>)
        } else {
        }
        %eq3A_157 = arith.constant 1 : i32
        %eq3A_158 = arith.cmpi eq, %arg0, %eq3A_157 : i32
        %convert_element_type3A_159 = arith.extui %eq3A_158 : i1 to i32
        %cond3A_160 = arith.constant 0 : i32
        %cond3A_161 = arith.cmpi ne, %convert_element_type3A_159, %cond3A_160 : i32
        scf.if %cond3A_161 {
          %dma_start3A_162 = arith.constant 1 : i32
          %dma_start3A_163 = arith.constant 0 : i32
          %dma_start3A_164 = arith.constant 1 : i32
          %dma_start3A_165 = arith.constant 0 : i32
          %dma_start3A_166 = arith.constant 0 : i32
          %dma_start3A_167 = tpu.memref_slice %arg13[%dma_start3A_164, %dma_start3A_165, %dma_start3A_166] : memref<2x128x128xf32, #tpu.memory_space<vmem>> -> memref<1x128x128xf32, #tpu.memory_space<vmem>>
          %dma_start3A_168 = tpu.memref_squeeze %dma_start3A_167 : memref<1x128x128xf32, #tpu.memory_space<vmem>> -> memref<128x128xf32, #tpu.memory_space<vmem>>
          %dma_start3A_169 = arith.constant 0 : i32
          %dma_start3A_170 = tpu.memref_slice %arg12[%dma_start3A_162, %dma_start3A_163, %dma_start3A_169] : memref<2x2x128xi32, #tpu.memory_space<vmem>> -> memref<1x1x128xi32, #tpu.memory_space<vmem>>
          %dma_start3A_171 = tpu.memref_squeeze %dma_start3A_170 : memref<1x1x128xi32, #tpu.memory_space<vmem>> -> memref<128xi32, #tpu.memory_space<vmem>>
          %dma_start3A_172 = arith.constant 0 : i32
          %dma_start3A_173 = arith.constant 0 : i32
          %dma_start3A_174 = tpu.memref_slice %arg3[%dma_start3A_172, %dma_start3A_173] : memref<10000x128xf32, #tpu.memory_space<hbm>> -> memref<10000x128xf32, #tpu.memory_space<hbm>>
          tpu.enqueue_indirect_dma source(%dma_start3A_174 : memref<10000x128xf32, #tpu.memory_space<hbm>>) target(%dma_start3A_168 : memref<128x128xf32, #tpu.memory_space<vmem>>) offsets(%dma_start3A_171 : memref<128xi32, #tpu.memory_space<vmem>>) semaphore(%arg21 : memref<!tpu.dma_semaphore, #tpu.memory_space<semaphore_mem>>)
        } else {
        }
      } else {
      }
      %mul3A_95 = arith.constant 2 : i32
      %mul3A_96 = arith.muli %add3A_76, %mul3A_95 : i32
      %add3A_97 = arith.constant 0 : i32
      %add3A_98 = arith.addi %mul3A_96, %add3A_97 : i32
      %lt3A_99 = arith.constant 157 : i32
      %lt3A_100 = arith.cmpi slt, %add3A_98, %lt3A_99 : i32
      %convert_element_type3A_101 = arith.extui %lt3A_100 : i1 to i32
      %cond3A_102 = arith.constant 0 : i32
      %cond3A_103 = arith.cmpi ne, %convert_element_type3A_101, %cond3A_102 : i32
      scf.if %cond3A_103 {
        %dma_wait3A = arith.constant 0 : i32
        %dma_wait3A_135 = arith.constant 0 : i32
        %dma_wait3A_136 = arith.constant 0 : i32
        %dma_wait3A_137 = arith.constant 0 : i32
        %dma_wait3A_138 = arith.constant 0 : i32
        %dma_wait3A_139 = tpu.memref_slice %arg13[%dma_wait3A_136, %dma_wait3A_137, %dma_wait3A_138] : memref<2x128x128xf32, #tpu.memory_space<vmem>> -> memref<1x128x128xf32, #tpu.memory_space<vmem>>
        %dma_wait3A_140 = tpu.memref_squeeze %dma_wait3A_139 : memref<1x128x128xf32, #tpu.memory_space<vmem>> -> memref<128x128xf32, #tpu.memory_space<vmem>>
        %dma_wait3A_141 = arith.constant 0 : i32
        %dma_wait3A_142 = tpu.memref_slice %arg12[%dma_wait3A, %dma_wait3A_135, %dma_wait3A_141] : memref<2x2x128xi32, #tpu.memory_space<vmem>> -> memref<1x1x128xi32, #tpu.memory_space<vmem>>
        %dma_wait3A_143 = tpu.memref_squeeze %dma_wait3A_142 : memref<1x1x128xi32, #tpu.memory_space<vmem>> -> memref<128xi32, #tpu.memory_space<vmem>>
        %dma_wait3A_144 = arith.constant 0 : i32
        %dma_wait3A_145 = arith.constant 0 : i32
        %dma_wait3A_146 = tpu.memref_slice %arg2[%dma_wait3A_144, %dma_wait3A_145] : memref<10000x128xf32, #tpu.memory_space<hbm>> -> memref<10000x128xf32, #tpu.memory_space<hbm>>
        tpu.wait_indirect_dma semaphore(%arg20 : memref<!tpu.dma_semaphore, #tpu.memory_space<semaphore_mem>>) src(%dma_wait3A_146 : memref<10000x128xf32, #tpu.memory_space<hbm>>) dst(%dma_wait3A_140 : memref<128x128xf32, #tpu.memory_space<vmem>>)
      } else {
      }
      %lt3A_104 = arith.cmpi slt, %add3A_98, %select_n3A : i32
      %convert_element_type3A_105 = arith.extui %lt3A_104 : i1 to i32
      %cond3A_106 = arith.constant 0 : i32
      %cond3A_107 = arith.cmpi ne, %convert_element_type3A_105, %cond3A_106 : i32
      scf.if %cond3A_107 {
        %run_scoped3A_135 = arith.constant 0 : i32
        %run_scoped3A_136 = arith.constant 0 : i32
        %run_scoped3A_137 = arith.constant 1 : i32
        "tpu.region"() ({
          %run_scoped3A_143 = tpu.sem_alloc : memref<!tpu.dma_semaphore, #tpu.memory_space<semaphore_mem>>
          %dma_start3A_144 = arith.constant 0 : i32
          %dma_start3A_145 = arith.constant 0 : i32
          %dma_start3A_146 = tpu.memref_slice %arg13[%run_scoped3A_135, %dma_start3A_144, %dma_start3A_145] : memref<2x128x128xf32, #tpu.memory_space<vmem>> -> memref<1x128x128xf32, #tpu.memory_space<vmem>>
          %dma_start3A_147 = tpu.memref_squeeze %dma_start3A_146 : memref<1x128x128xf32, #tpu.memory_space<vmem>> -> memref<128x128xf32, #tpu.memory_space<vmem>>
          %dma_start3A_148 = arith.constant 0 : i32
          %dma_start3A_149 = tpu.memref_slice %arg12[%run_scoped3A_136, %run_scoped3A_137, %dma_start3A_148] : memref<2x2x128xi32, #tpu.memory_space<vmem>> -> memref<1x1x128xi32, #tpu.memory_space<vmem>>
          %dma_start3A_150 = tpu.memref_squeeze %dma_start3A_149 : memref<1x1x128xi32, #tpu.memory_space<vmem>> -> memref<128xi32, #tpu.memory_space<vmem>>
          %dma_start3A_151 = arith.constant 0 : i32
          %dma_start3A_152 = arith.constant 0 : i32
          %dma_start3A_153 = tpu.memref_slice %arg16[%dma_start3A_151, %dma_start3A_152] : memref<10000x128xf32, #tpu.memory_space<vmem_shared>> -> memref<10000x128xf32, #tpu.memory_space<vmem_shared>>
          tpu.enqueue_indirect_dma source(%dma_start3A_147 : memref<128x128xf32, #tpu.memory_space<vmem>>) target(%dma_start3A_153 : memref<10000x128xf32, #tpu.memory_space<vmem_shared>>) offsets(%dma_start3A_150 : memref<128xi32, #tpu.memory_space<vmem>>) semaphore(%run_scoped3A_143 : memref<!tpu.dma_semaphore, #tpu.memory_space<semaphore_mem>>) {add = true}
          %dma_wait3A = arith.constant 0 : i32
          %dma_wait3A_154 = arith.constant 0 : i32
          %dma_wait3A_155 = tpu.memref_slice %arg13[%run_scoped3A_135, %dma_wait3A, %dma_wait3A_154] : memref<2x128x128xf32, #tpu.memory_space<vmem>> -> memref<1x128x128xf32, #tpu.memory_space<vmem>>
          %dma_wait3A_156 = tpu.memref_squeeze %dma_wait3A_155 : memref<1x128x128xf32, #tpu.memory_space<vmem>> -> memref<128x128xf32, #tpu.memory_space<vmem>>
          %dma_wait3A_157 = arith.constant 0 : i32
          %dma_wait3A_158 = tpu.memref_slice %arg12[%run_scoped3A_136, %run_scoped3A_137, %dma_wait3A_157] : memref<2x2x128xi32, #tpu.memory_space<vmem>> -> memref<1x1x128xi32, #tpu.memory_space<vmem>>
          %dma_wait3A_159 = tpu.memref_squeeze %dma_wait3A_158 : memref<1x1x128xi32, #tpu.memory_space<vmem>> -> memref<128xi32, #tpu.memory_space<vmem>>
          %dma_wait3A_160 = arith.constant 0 : i32
          %dma_wait3A_161 = arith.constant 0 : i32
          %dma_wait3A_162 = tpu.memref_slice %arg16[%dma_wait3A_160, %dma_wait3A_161] : memref<10000x128xf32, #tpu.memory_space<vmem_shared>> -> memref<10000x128xf32, #tpu.memory_space<vmem_shared>>
          tpu.wait_indirect_dma semaphore(%run_scoped3A_143 : memref<!tpu.dma_semaphore, #tpu.memory_space<semaphore_mem>>) src(%dma_wait3A_156 : memref<128x128xf32, #tpu.memory_space<vmem>>) dst(%dma_wait3A_162 : memref<10000x128xf32, #tpu.memory_space<vmem_shared>>)
          tpu.yield
        }) : () -> ()
        %eq3A_138 = arith.constant 0 : i32
        %eq3A_139 = arith.cmpi eq, %arg0, %eq3A_138 : i32
        %convert_element_type3A_140 = arith.extui %eq3A_139 : i1 to i32
        %cond3A_141 = arith.constant 0 : i32
        %cond3A_142 = arith.cmpi ne, %convert_element_type3A_140, %cond3A_141 : i32
        scf.if %cond3A_142 {
          %get3A = arith.constant 0 : i32
          %get3A_143 = arith.constant 1 : i32
          %get3A_144 = arith.index_cast %get3A : i32 to index
          %get3A_145 = arith.index_cast %get3A_143 : i32 to index
          %get3A_146 = arith.constant 0 : index
          %get3A_147 = tpu.vector_load %arg12[%get3A_144, %get3A_145, %get3A_146] {strides = array<i32>} : memref<2x2x128xi32, #tpu.memory_space<vmem>>, vector<16xi32>,
          %shift_right_arithmetic3A = arith.constant 7 : i32
          %shift_right_arithmetic3A_148 = vector.broadcast %shift_right_arithmetic3A : i32 to vector<16xi32>
          %shift_right_arithmetic3A_149 = arith.shrsi %get3A_147, %shift_right_arithmetic3A_148 : vector<16xi32>
          %and3A = arith.constant 127 : i32
          %and3A_150 = vector.broadcast %and3A : i32 to vector<16xi32>
          %and3A_151 = arith.andi %get3A_147, %and3A_150 : vector<16xi32>
          tpu.vector_store_idx %arg15[%shift_right_arithmetic3A_149, %and3A_151], %broadcast_in_dim3A_50 {add = true} : memref<80x128xf32, #tpu.memory_space<vmem>>[vector<16xi32>, vector<16xi32>], vector<16xf32>,
          %get3A_152 = arith.constant 0 : i32
          %get3A_153 = arith.constant 1 : i32
          %get3A_154 = arith.index_cast %get3A_152 : i32 to index
          %get3A_155 = arith.index_cast %get3A_153 : i32 to index
          %get3A_156 = arith.constant 16 : index
          %get3A_157 = tpu.vector_load %arg12[%get3A_154, %get3A_155, %get3A_156] {strides = array<i32>} : memref<2x2x128xi32, #tpu.memory_space<vmem>>, vector<16xi32>,
          %shift_right_arithmetic3A_158 = arith.constant 7 : i32
          %shift_right_arithmetic3A_159 = vector.broadcast %shift_right_arithmetic3A_158 : i32 to vector<16xi32>
          %shift_right_arithmetic3A_160 = arith.shrsi %get3A_157, %shift_right_arithmetic3A_159 : vector<16xi32>
          %and3A_161 = arith.constant 127 : i32
          %and3A_162 = vector.broadcast %and3A_161 : i32 to vector<16xi32>
          %and3A_163 = arith.andi %get3A_157, %and3A_162 : vector<16xi32>
          tpu.vector_store_idx %arg15[%shift_right_arithmetic3A_160, %and3A_163], %broadcast_in_dim3A_50 {add = true} : memref<80x128xf32, #tpu.memory_space<vmem>>[vector<16xi32>, vector<16xi32>], vector<16xf32>,
          %get3A_164 = arith.constant 0 : i32
          %get3A_165 = arith.constant 1 : i32
          %get3A_166 = arith.index_cast %get3A_164 : i32 to index
          %get3A_167 = arith.index_cast %get3A_165 : i32 to index
          %get3A_168 = arith.constant 32 : index
          %get3A_169 = tpu.vector_load %arg12[%get3A_166, %get3A_167, %get3A_168] {strides = array<i32>} : memref<2x2x128xi32, #tpu.memory_space<vmem>>, vector<16xi32>,
          %shift_right_arithmetic3A_170 = arith.constant 7 : i32
          %shift_right_arithmetic3A_171 = vector.broadcast %shift_right_arithmetic3A_170 : i32 to vector<16xi32>
          %shift_right_arithmetic3A_172 = arith.shrsi %get3A_169, %shift_right_arithmetic3A_171 : vector<16xi32>
          %and3A_173 = arith.constant 127 : i32
          %and3A_174 = vector.broadcast %and3A_173 : i32 to vector<16xi32>
          %and3A_175 = arith.andi %get3A_169, %and3A_174 : vector<16xi32>
          tpu.vector_store_idx %arg15[%shift_right_arithmetic3A_172, %and3A_175], %broadcast_in_dim3A_50 {add = true} : memref<80x128xf32, #tpu.memory_space<vmem>>[vector<16xi32>, vector<16xi32>], vector<16xf32>,
          %get3A_176 = arith.constant 0 : i32
          %get3A_177 = arith.constant 1 : i32
          %get3A_178 = arith.index_cast %get3A_176 : i32 to index
          %get3A_179 = arith.index_cast %get3A_177 : i32 to index
          %get3A_180 = arith.constant 48 : index
          %get3A_181 = tpu.vector_load %arg12[%get3A_178, %get3A_179, %get3A_180] {strides = array<i32>} : memref<2x2x128xi32, #tpu.memory_space<vmem>>, vector<16xi32>,
          %shift_right_arithmetic3A_182 = arith.constant 7 : i32
          %shift_right_arithmetic3A_183 = vector.broadcast %shift_right_arithmetic3A_182 : i32 to vector<16xi32>
          %shift_right_arithmetic3A_184 = arith.shrsi %get3A_181, %shift_right_arithmetic3A_183 : vector<16xi32>
          %and3A_185 = arith.constant 127 : i32
          %and3A_186 = vector.broadcast %and3A_185 : i32 to vector<16xi32>
          %and3A_187 = arith.andi %get3A_181, %and3A_186 : vector<16xi32>
          tpu.vector_store_idx %arg15[%shift_right_arithmetic3A_184, %and3A_187], %broadcast_in_dim3A_50 {add = true} : memref<80x128xf32, #tpu.memory_space<vmem>>[vector<16xi32>, vector<16xi32>], vector<16xf32>,
          %get3A_188 = arith.constant 0 : i32
          %get3A_189 = arith.constant 1 : i32
          %get3A_190 = arith.index_cast %get3A_188 : i32 to index
          %get3A_191 = arith.index_cast %get3A_189 : i32 to index
          %get3A_192 = arith.constant 64 : index
          %get3A_193 = tpu.vector_load %arg12[%get3A_190, %get3A_191, %get3A_192] {strides = array<i32>} : memref<2x2x128xi32, #tpu.memory_space<vmem>>, vector<16xi32>,
          %shift_right_arithmetic3A_194 = arith.constant 7 : i32
          %shift_right_arithmetic3A_195 = vector.broadcast %shift_right_arithmetic3A_194 : i32 to vector<16xi32>
          %shift_right_arithmetic3A_196 = arith.shrsi %get3A_193, %shift_right_arithmetic3A_195 : vector<16xi32>
          %and3A_197 = arith.constant 127 : i32
          %and3A_198 = vector.broadcast %and3A_197 : i32 to vector<16xi32>
          %and3A_199 = arith.andi %get3A_193, %and3A_198 : vector<16xi32>
          tpu.vector_store_idx %arg15[%shift_right_arithmetic3A_196, %and3A_199], %broadcast_in_dim3A_50 {add = true} : memref<80x128xf32, #tpu.memory_space<vmem>>[vector<16xi32>, vector<16xi32>], vector<16xf32>,
          %get3A_200 = arith.constant 0 : i32
          %get3A_201 = arith.constant 1 : i32
          %get3A_202 = arith.index_cast %get3A_200 : i32 to index
          %get3A_203 = arith.index_cast %get3A_201 : i32 to index
          %get3A_204 = arith.constant 80 : index
          %get3A_205 = tpu.vector_load %arg12[%get3A_202, %get3A_203, %get3A_204] {strides = array<i32>} : memref<2x2x128xi32, #tpu.memory_space<vmem>>, vector<16xi32>,
          %shift_right_arithmetic3A_206 = arith.constant 7 : i32
          %shift_right_arithmetic3A_207 = vector.broadcast %shift_right_arithmetic3A_206 : i32 to vector<16xi32>
          %shift_right_arithmetic3A_208 = arith.shrsi %get3A_205, %shift_right_arithmetic3A_207 : vector<16xi32>
          %and3A_209 = arith.constant 127 : i32
          %and3A_210 = vector.broadcast %and3A_209 : i32 to vector<16xi32>
          %and3A_211 = arith.andi %get3A_205, %and3A_210 : vector<16xi32>
          tpu.vector_store_idx %arg15[%shift_right_arithmetic3A_208, %and3A_211], %broadcast_in_dim3A_50 {add = true} : memref<80x128xf32, #tpu.memory_space<vmem>>[vector<16xi32>, vector<16xi32>], vector<16xf32>,
          %get3A_212 = arith.constant 0 : i32
          %get3A_213 = arith.constant 1 : i32
          %get3A_214 = arith.index_cast %get3A_212 : i32 to index
          %get3A_215 = arith.index_cast %get3A_213 : i32 to index
          %get3A_216 = arith.constant 96 : index
          %get3A_217 = tpu.vector_load %arg12[%get3A_214, %get3A_215, %get3A_216] {strides = array<i32>} : memref<2x2x128xi32, #tpu.memory_space<vmem>>, vector<16xi32>,
          %shift_right_arithmetic3A_218 = arith.constant 7 : i32
          %shift_right_arithmetic3A_219 = vector.broadcast %shift_right_arithmetic3A_218 : i32 to vector<16xi32>
          %shift_right_arithmetic3A_220 = arith.shrsi %get3A_217, %shift_right_arithmetic3A_219 : vector<16xi32>
          %and3A_221 = arith.constant 127 : i32
          %and3A_222 = vector.broadcast %and3A_221 : i32 to vector<16xi32>
          %and3A_223 = arith.andi %get3A_217, %and3A_222 : vector<16xi32>
          tpu.vector_store_idx %arg15[%shift_right_arithmetic3A_220, %and3A_223], %broadcast_in_dim3A_50 {add = true} : memref<80x128xf32, #tpu.memory_space<vmem>>[vector<16xi32>, vector<16xi32>], vector<16xf32>,
          %get3A_224 = arith.constant 0 : i32
          %get3A_225 = arith.constant 1 : i32
          %get3A_226 = arith.index_cast %get3A_224 : i32 to index
          %get3A_227 = arith.index_cast %get3A_225 : i32 to index
          %get3A_228 = arith.constant 112 : index
          %get3A_229 = tpu.vector_load %arg12[%get3A_226, %get3A_227, %get3A_228] {strides = array<i32>} : memref<2x2x128xi32, #tpu.memory_space<vmem>>, vector<16xi32>,
          %shift_right_arithmetic3A_230 = arith.constant 7 : i32
          %shift_right_arithmetic3A_231 = vector.broadcast %shift_right_arithmetic3A_230 : i32 to vector<16xi32>
          %shift_right_arithmetic3A_232 = arith.shrsi %get3A_229, %shift_right_arithmetic3A_231 : vector<16xi32>
          %and3A_233 = arith.constant 127 : i32
          %and3A_234 = vector.broadcast %and3A_233 : i32 to vector<16xi32>
          %and3A_235 = arith.andi %get3A_229, %and3A_234 : vector<16xi32>
          tpu.vector_store_idx %arg15[%shift_right_arithmetic3A_232, %and3A_235], %broadcast_in_dim3A_50 {add = true} : memref<80x128xf32, #tpu.memory_space<vmem>>[vector<16xi32>, vector<16xi32>], vector<16xf32>,
        } else {
        }
      } else {
      }
      %add3A_108 = arith.constant 2 : i32
      %add3A_109 = arith.addi %add3A_98, %add3A_108 : i32
      %lt3A_110 = arith.constant 157 : i32
      %lt3A_111 = arith.cmpi slt, %add3A_109, %lt3A_110 : i32
      %convert_element_type3A_112 = arith.extui %lt3A_111 : i1 to i32
      %cond3A_113 = arith.constant 0 : i32
      %cond3A_114 = arith.cmpi ne, %convert_element_type3A_112, %cond3A_113 : i32
      scf.if %cond3A_114 {
        %add3A_135 = arith.addi %add3A, %add3A_98 : i32
        %add3A_136 = arith.constant 2 : i32
        %add3A_137 = arith.addi %add3A_135, %add3A_136 : i32
        %dma_start3A_138 = arith.constant 0 : i32
        %dma_start3A_139 = arith.constant 0 : i32
        %dma_start3A_140 = arith.constant 0 : i32
        %dma_start3A_141 = tpu.memref_slice %arg12[%dma_start3A_138, %dma_start3A_139, %dma_start3A_140] : memref<2x2x128xi32, #tpu.memory_space<vmem>> -> memref<1x2x128xi32, #tpu.memory_space<vmem>>
        %dma_start3A_142 = tpu.memref_squeeze %dma_start3A_141 : memref<1x2x128xi32, #tpu.memory_space<vmem>> -> memref<2x128xi32, #tpu.memory_space<vmem>>
        %dma_start3A_143 = arith.constant 0 : i32
        %dma_start3A_144 = arith.constant 0 : i32
        %dma_start3A_145 = tpu.memref_slice %arg4[%add3A_137, %dma_start3A_143, %dma_start3A_144] : memref<2524x2x128xi32, #tpu.memory_space<hbm>> -> memref<1x2x128xi32, #tpu.memory_space<hbm>>
        %dma_start3A_146 = tpu.memref_squeeze %dma_start3A_145 : memref<1x2x128xi32, #tpu.memory_space<hbm>> -> memref<2x128xi32, #tpu.memory_space<hbm>>
        %dma_start3A_147 = arith.constant 0 : i32
        %dma_start3A_148 = arith.constant 0 : i32
        %dma_start3A_149 = tpu.memref_slice %arg12[%dma_start3A_138, %dma_start3A_147, %dma_start3A_148] : memref<2x2x128xi32, #tpu.memory_space<vmem>> -> memref<1x2x128xi32, #tpu.memory_space<vmem>>
        %dma_start3A_150 = tpu.memref_squeeze %dma_start3A_149 : memref<1x2x128xi32, #tpu.memory_space<vmem>> -> memref<2x128xi32, #tpu.memory_space<vmem>>
        %dma_start3A_151 = arith.constant 0 : i32
        %dma_start3A_152 = arith.constant 0 : i32
        %dma_start3A_153 = tpu.memref_slice %arg4[%add3A_137, %dma_start3A_151, %dma_start3A_152] : memref<2524x2x128xi32, #tpu.memory_space<hbm>> -> memref<1x2x128xi32, #tpu.memory_space<hbm>>
        %dma_start3A_154 = tpu.memref_squeeze %dma_start3A_153 : memref<1x2x128xi32, #tpu.memory_space<hbm>> -> memref<2x128xi32, #tpu.memory_space<hbm>>
        tpu.enqueue_dma source(%dma_start3A_154 : memref<2x128xi32, #tpu.memory_space<hbm>>) target(%dma_start3A_150 : memref<2x128xi32, #tpu.memory_space<vmem>>) target_semaphore(%arg18 : memref<!tpu.dma_semaphore, #tpu.memory_space<semaphore_mem>>)
      } else {
      }
      %mul3A_115 = arith.constant 2 : i32
      %mul3A_116 = arith.muli %add3A_76, %mul3A_115 : i32
      %add3A_117 = arith.constant 1 : i32
      %add3A_118 = arith.addi %mul3A_116, %add3A_117 : i32
      %lt3A_119 = arith.constant 157 : i32
      %lt3A_120 = arith.cmpi slt, %add3A_118, %lt3A_119 : i32
      %convert_element_type3A_121 = arith.extui %lt3A_120 : i1 to i32
      %cond3A_122 = arith.constant 0 : i32
      %cond3A_123 = arith.cmpi ne, %convert_element_type3A_121, %cond3A_122 : i32
      scf.if %cond3A_123 {
        %dma_wait3A = arith.constant 1 : i32
        %dma_wait3A_135 = arith.constant 0 : i32
        %dma_wait3A_136 = arith.constant 1 : i32
        %dma_wait3A_137 = arith.constant 0 : i32
        %dma_wait3A_138 = arith.constant 0 : i32
        %dma_wait3A_139 = tpu.memref_slice %arg13[%dma_wait3A_136, %dma_wait3A_137, %dma_wait3A_138] : memref<2x128x128xf32, #tpu.memory_space<vmem>> -> memref<1x128x128xf32, #tpu.memory_space<vmem>>
        %dma_wait3A_140 = tpu.memref_squeeze %dma_wait3A_139 : memref<1x128x128xf32, #tpu.memory_space<vmem>> -> memref<128x128xf32, #tpu.memory_space<vmem>>
        %dma_wait3A_141 = arith.constant 0 : i32
        %dma_wait3A_142 = tpu.memref_slice %arg12[%dma_wait3A, %dma_wait3A_135, %dma_wait3A_141] : memref<2x2x128xi32, #tpu.memory_space<vmem>> -> memref<1x1x128xi32, #tpu.memory_space<vmem>>
        %dma_wait3A_143 = tpu.memref_squeeze %dma_wait3A_142 : memref<1x1x128xi32, #tpu.memory_space<vmem>> -> memref<128xi32, #tpu.memory_space<vmem>>
        %dma_wait3A_144 = arith.constant 0 : i32
        %dma_wait3A_145 = arith.constant 0 : i32
        %dma_wait3A_146 = tpu.memref_slice %arg2[%dma_wait3A_144, %dma_wait3A_145] : memref<10000x128xf32, #tpu.memory_space<hbm>> -> memref<10000x128xf32, #tpu.memory_space<hbm>>
        tpu.wait_indirect_dma semaphore(%arg21 : memref<!tpu.dma_semaphore, #tpu.memory_space<semaphore_mem>>) src(%dma_wait3A_146 : memref<10000x128xf32, #tpu.memory_space<hbm>>) dst(%dma_wait3A_140 : memref<128x128xf32, #tpu.memory_space<vmem>>)
      } else {
      }
      %lt3A_124 = arith.cmpi slt, %add3A_118, %select_n3A : i32
      %convert_element_type3A_125 = arith.extui %lt3A_124 : i1 to i32
      %cond3A_126 = arith.constant 0 : i32
      %cond3A_127 = arith.cmpi ne, %convert_element_type3A_125, %cond3A_126 : i32
      scf.if %cond3A_127 {
        %run_scoped3A_135 = arith.constant 1 : i32
        %run_scoped3A_136 = arith.constant 1 : i32
        %run_scoped3A_137 = arith.constant 1 : i32
        "tpu.region"() ({
          %run_scoped3A_143 = tpu.sem_alloc : memref<!tpu.dma_semaphore, #tpu.memory_space<semaphore_mem>>
          %dma_start3A_144 = arith.constant 0 : i32
          %dma_start3A_145 = arith.constant 0 : i32
          %dma_start3A_146 = tpu.memref_slice %arg13[%run_scoped3A_135, %dma_start3A_144, %dma_start3A_145] : memref<2x128x128xf32, #tpu.memory_space<vmem>> -> memref<1x128x128xf32, #tpu.memory_space<vmem>>
          %dma_start3A_147 = tpu.memref_squeeze %dma_start3A_146 : memref<1x128x128xf32, #tpu.memory_space<vmem>> -> memref<128x128xf32, #tpu.memory_space<vmem>>
          %dma_start3A_148 = arith.constant 0 : i32
          %dma_start3A_149 = tpu.memref_slice %arg12[%run_scoped3A_136, %run_scoped3A_137, %dma_start3A_148] : memref<2x2x128xi32, #tpu.memory_space<vmem>> -> memref<1x1x128xi32, #tpu.memory_space<vmem>>
          %dma_start3A_150 = tpu.memref_squeeze %dma_start3A_149 : memref<1x1x128xi32, #tpu.memory_space<vmem>> -> memref<128xi32, #tpu.memory_space<vmem>>
          %dma_start3A_151 = arith.constant 0 : i32
          %dma_start3A_152 = arith.constant 0 : i32
          %dma_start3A_153 = tpu.memref_slice %arg16[%dma_start3A_151, %dma_start3A_152] : memref<10000x128xf32, #tpu.memory_space<vmem_shared>> -> memref<10000x128xf32, #tpu.memory_space<vmem_shared>>
          tpu.enqueue_indirect_dma source(%dma_start3A_147 : memref<128x128xf32, #tpu.memory_space<vmem>>) target(%dma_start3A_153 : memref<10000x128xf32, #tpu.memory_space<vmem_shared>>) offsets(%dma_start3A_150 : memref<128xi32, #tpu.memory_space<vmem>>) semaphore(%run_scoped3A_143 : memref<!tpu.dma_semaphore, #tpu.memory_space<semaphore_mem>>) {add = true}
          %dma_wait3A = arith.constant 0 : i32
          %dma_wait3A_154 = arith.constant 0 : i32
          %dma_wait3A_155 = tpu.memref_slice %arg13[%run_scoped3A_135, %dma_wait3A, %dma_wait3A_154] : memref<2x128x128xf32, #tpu.memory_space<vmem>> -> memref<1x128x128xf32, #tpu.memory_space<vmem>>
          %dma_wait3A_156 = tpu.memref_squeeze %dma_wait3A_155 : memref<1x128x128xf32, #tpu.memory_space<vmem>> -> memref<128x128xf32, #tpu.memory_space<vmem>>
          %dma_wait3A_157 = arith.constant 0 : i32
          %dma_wait3A_158 = tpu.memref_slice %arg12[%run_scoped3A_136, %run_scoped3A_137, %dma_wait3A_157] : memref<2x2x128xi32, #tpu.memory_space<vmem>> -> memref<1x1x128xi32, #tpu.memory_space<vmem>>
          %dma_wait3A_159 = tpu.memref_squeeze %dma_wait3A_158 : memref<1x1x128xi32, #tpu.memory_space<vmem>> -> memref<128xi32, #tpu.memory_space<vmem>>
          %dma_wait3A_160 = arith.constant 0 : i32
          %dma_wait3A_161 = arith.constant 0 : i32
          %dma_wait3A_162 = tpu.memref_slice %arg16[%dma_wait3A_160, %dma_wait3A_161] : memref<10000x128xf32, #tpu.memory_space<vmem_shared>> -> memref<10000x128xf32, #tpu.memory_space<vmem_shared>>
          tpu.wait_indirect_dma semaphore(%run_scoped3A_143 : memref<!tpu.dma_semaphore, #tpu.memory_space<semaphore_mem>>) src(%dma_wait3A_156 : memref<128x128xf32, #tpu.memory_space<vmem>>) dst(%dma_wait3A_162 : memref<10000x128xf32, #tpu.memory_space<vmem_shared>>)
          tpu.yield
        }) : () -> ()
        %eq3A_138 = arith.constant 1 : i32
        %eq3A_139 = arith.cmpi eq, %arg0, %eq3A_138 : i32
        %convert_element_type3A_140 = arith.extui %eq3A_139 : i1 to i32
        %cond3A_141 = arith.constant 0 : i32
        %cond3A_142 = arith.cmpi ne, %convert_element_type3A_140, %cond3A_141 : i32
        scf.if %cond3A_142 {
          %get3A = arith.constant 1 : i32
          %get3A_143 = arith.constant 1 : i32
          %get3A_144 = arith.index_cast %get3A : i32 to index
          %get3A_145 = arith.index_cast %get3A_143 : i32 to index
          %get3A_146 = arith.constant 0 : index
          %get3A_147 = tpu.vector_load %arg12[%get3A_144, %get3A_145, %get3A_146] {strides = array<i32>} : memref<2x2x128xi32, #tpu.memory_space<vmem>>, vector<16xi32>,
          %shift_right_arithmetic3A = arith.constant 7 : i32
          %shift_right_arithmetic3A_148 = vector.broadcast %shift_right_arithmetic3A : i32 to vector<16xi32>
          %shift_right_arithmetic3A_149 = arith.shrsi %get3A_147, %shift_right_arithmetic3A_148 : vector<16xi32>
          %and3A = arith.constant 127 : i32
          %and3A_150 = vector.broadcast %and3A : i32 to vector<16xi32>
          %and3A_151 = arith.andi %get3A_147, %and3A_150 : vector<16xi32>
          tpu.vector_store_idx %arg15[%shift_right_arithmetic3A_149, %and3A_151], %broadcast_in_dim3A_50 {add = true} : memref<80x128xf32, #tpu.memory_space<vmem>>[vector<16xi32>, vector<16xi32>], vector<16xf32>,
          %get3A_152 = arith.constant 1 : i32
          %get3A_153 = arith.constant 1 : i32
          %get3A_154 = arith.index_cast %get3A_152 : i32 to index
          %get3A_155 = arith.index_cast %get3A_153 : i32 to index
          %get3A_156 = arith.constant 16 : index
          %get3A_157 = tpu.vector_load %arg12[%get3A_154, %get3A_155, %get3A_156] {strides = array<i32>} : memref<2x2x128xi32, #tpu.memory_space<vmem>>, vector<16xi32>,
          %shift_right_arithmetic3A_158 = arith.constant 7 : i32
          %shift_right_arithmetic3A_159 = vector.broadcast %shift_right_arithmetic3A_158 : i32 to vector<16xi32>
          %shift_right_arithmetic3A_160 = arith.shrsi %get3A_157, %shift_right_arithmetic3A_159 : vector<16xi32>
          %and3A_161 = arith.constant 127 : i32
          %and3A_162 = vector.broadcast %and3A_161 : i32 to vector<16xi32>
          %and3A_163 = arith.andi %get3A_157, %and3A_162 : vector<16xi32>
          tpu.vector_store_idx %arg15[%shift_right_arithmetic3A_160, %and3A_163], %broadcast_in_dim3A_50 {add = true} : memref<80x128xf32, #tpu.memory_space<vmem>>[vector<16xi32>, vector<16xi32>], vector<16xf32>,
          %get3A_164 = arith.constant 1 : i32
          %get3A_165 = arith.constant 1 : i32
          %get3A_166 = arith.index_cast %get3A_164 : i32 to index
          %get3A_167 = arith.index_cast %get3A_165 : i32 to index
          %get3A_168 = arith.constant 32 : index
          %get3A_169 = tpu.vector_load %arg12[%get3A_166, %get3A_167, %get3A_168] {strides = array<i32>} : memref<2x2x128xi32, #tpu.memory_space<vmem>>, vector<16xi32>,
          %shift_right_arithmetic3A_170 = arith.constant 7 : i32
          %shift_right_arithmetic3A_171 = vector.broadcast %shift_right_arithmetic3A_170 : i32 to vector<16xi32>
          %shift_right_arithmetic3A_172 = arith.shrsi %get3A_169, %shift_right_arithmetic3A_171 : vector<16xi32>
          %and3A_173 = arith.constant 127 : i32
          %and3A_174 = vector.broadcast %and3A_173 : i32 to vector<16xi32>
          %and3A_175 = arith.andi %get3A_169, %and3A_174 : vector<16xi32>
          tpu.vector_store_idx %arg15[%shift_right_arithmetic3A_172, %and3A_175], %broadcast_in_dim3A_50 {add = true} : memref<80x128xf32, #tpu.memory_space<vmem>>[vector<16xi32>, vector<16xi32>], vector<16xf32>,
          %get3A_176 = arith.constant 1 : i32
          %get3A_177 = arith.constant 1 : i32
          %get3A_178 = arith.index_cast %get3A_176 : i32 to index
          %get3A_179 = arith.index_cast %get3A_177 : i32 to index
          %get3A_180 = arith.constant 48 : index
          %get3A_181 = tpu.vector_load %arg12[%get3A_178, %get3A_179, %get3A_180] {strides = array<i32>} : memref<2x2x128xi32, #tpu.memory_space<vmem>>, vector<16xi32>,
          %shift_right_arithmetic3A_182 = arith.constant 7 : i32
          %shift_right_arithmetic3A_183 = vector.broadcast %shift_right_arithmetic3A_182 : i32 to vector<16xi32>
          %shift_right_arithmetic3A_184 = arith.shrsi %get3A_181, %shift_right_arithmetic3A_183 : vector<16xi32>
          %and3A_185 = arith.constant 127 : i32
          %and3A_186 = vector.broadcast %and3A_185 : i32 to vector<16xi32>
          %and3A_187 = arith.andi %get3A_181, %and3A_186 : vector<16xi32>
          tpu.vector_store_idx %arg15[%shift_right_arithmetic3A_184, %and3A_187], %broadcast_in_dim3A_50 {add = true} : memref<80x128xf32, #tpu.memory_space<vmem>>[vector<16xi32>, vector<16xi32>], vector<16xf32>,
          %get3A_188 = arith.constant 1 : i32
          %get3A_189 = arith.constant 1 : i32
          %get3A_190 = arith.index_cast %get3A_188 : i32 to index
          %get3A_191 = arith.index_cast %get3A_189 : i32 to index
          %get3A_192 = arith.constant 64 : index
          %get3A_193 = tpu.vector_load %arg12[%get3A_190, %get3A_191, %get3A_192] {strides = array<i32>} : memref<2x2x128xi32, #tpu.memory_space<vmem>>, vector<16xi32>,
          %shift_right_arithmetic3A_194 = arith.constant 7 : i32
          %shift_right_arithmetic3A_195 = vector.broadcast %shift_right_arithmetic3A_194 : i32 to vector<16xi32>
          %shift_right_arithmetic3A_196 = arith.shrsi %get3A_193, %shift_right_arithmetic3A_195 : vector<16xi32>
          %and3A_197 = arith.constant 127 : i32
          %and3A_198 = vector.broadcast %and3A_197 : i32 to vector<16xi32>
          %and3A_199 = arith.andi %get3A_193, %and3A_198 : vector<16xi32>
          tpu.vector_store_idx %arg15[%shift_right_arithmetic3A_196, %and3A_199], %broadcast_in_dim3A_50 {add = true} : memref<80x128xf32, #tpu.memory_space<vmem>>[vector<16xi32>, vector<16xi32>], vector<16xf32>,
          %get3A_200 = arith.constant 1 : i32
          %get3A_201 = arith.constant 1 : i32
          %get3A_202 = arith.index_cast %get3A_200 : i32 to index
          %get3A_203 = arith.index_cast %get3A_201 : i32 to index
          %get3A_204 = arith.constant 80 : index
          %get3A_205 = tpu.vector_load %arg12[%get3A_202, %get3A_203, %get3A_204] {strides = array<i32>} : memref<2x2x128xi32, #tpu.memory_space<vmem>>, vector<16xi32>,
          %shift_right_arithmetic3A_206 = arith.constant 7 : i32
          %shift_right_arithmetic3A_207 = vector.broadcast %shift_right_arithmetic3A_206 : i32 to vector<16xi32>
          %shift_right_arithmetic3A_208 = arith.shrsi %get3A_205, %shift_right_arithmetic3A_207 : vector<16xi32>
          %and3A_209 = arith.constant 127 : i32
          %and3A_210 = vector.broadcast %and3A_209 : i32 to vector<16xi32>
          %and3A_211 = arith.andi %get3A_205, %and3A_210 : vector<16xi32>
          tpu.vector_store_idx %arg15[%shift_right_arithmetic3A_208, %and3A_211], %broadcast_in_dim3A_50 {add = true} : memref<80x128xf32, #tpu.memory_space<vmem>>[vector<16xi32>, vector<16xi32>], vector<16xf32>,
          %get3A_212 = arith.constant 1 : i32
          %get3A_213 = arith.constant 1 : i32
          %get3A_214 = arith.index_cast %get3A_212 : i32 to index
          %get3A_215 = arith.index_cast %get3A_213 : i32 to index
          %get3A_216 = arith.constant 96 : index
          %get3A_217 = tpu.vector_load %arg12[%get3A_214, %get3A_215, %get3A_216] {strides = array<i32>} : memref<2x2x128xi32, #tpu.memory_space<vmem>>, vector<16xi32>,
          %shift_right_arithmetic3A_218 = arith.constant 7 : i32
          %shift_right_arithmetic3A_219 = vector.broadcast %shift_right_arithmetic3A_218 : i32 to vector<16xi32>
          %shift_right_arithmetic3A_220 = arith.shrsi %get3A_217, %shift_right_arithmetic3A_219 : vector<16xi32>
          %and3A_221 = arith.constant 127 : i32
          %and3A_222 = vector.broadcast %and3A_221 : i32 to vector<16xi32>
          %and3A_223 = arith.andi %get3A_217, %and3A_222 : vector<16xi32>
          tpu.vector_store_idx %arg15[%shift_right_arithmetic3A_220, %and3A_223], %broadcast_in_dim3A_50 {add = true} : memref<80x128xf32, #tpu.memory_space<vmem>>[vector<16xi32>, vector<16xi32>], vector<16xf32>,
          %get3A_224 = arith.constant 1 : i32
          %get3A_225 = arith.constant 1 : i32
          %get3A_226 = arith.index_cast %get3A_224 : i32 to index
          %get3A_227 = arith.index_cast %get3A_225 : i32 to index
          %get3A_228 = arith.constant 112 : index
          %get3A_229 = tpu.vector_load %arg12[%get3A_226, %get3A_227, %get3A_228] {strides = array<i32>} : memref<2x2x128xi32, #tpu.memory_space<vmem>>, vector<16xi32>,
          %shift_right_arithmetic3A_230 = arith.constant 7 : i32
          %shift_right_arithmetic3A_231 = vector.broadcast %shift_right_arithmetic3A_230 : i32 to vector<16xi32>
          %shift_right_arithmetic3A_232 = arith.shrsi %get3A_229, %shift_right_arithmetic3A_231 : vector<16xi32>
          %and3A_233 = arith.constant 127 : i32
          %and3A_234 = vector.broadcast %and3A_233 : i32 to vector<16xi32>
          %and3A_235 = arith.andi %get3A_229, %and3A_234 : vector<16xi32>
          tpu.vector_store_idx %arg15[%shift_right_arithmetic3A_232, %and3A_235], %broadcast_in_dim3A_50 {add = true} : memref<80x128xf32, #tpu.memory_space<vmem>>[vector<16xi32>, vector<16xi32>], vector<16xf32>,
        } else {
        }
      } else {
      }
      %add3A_128 = arith.constant 2 : i32
      %add3A_129 = arith.addi %add3A_118, %add3A_128 : i32
      %lt3A_130 = arith.constant 157 : i32
      %lt3A_131 = arith.cmpi slt, %add3A_129, %lt3A_130 : i32
      %convert_element_type3A_132 = arith.extui %lt3A_131 : i1 to i32
      %cond3A_133 = arith.constant 0 : i32
      %cond3A_134 = arith.cmpi ne, %convert_element_type3A_132, %cond3A_133 : i32
      scf.if %cond3A_134 {
        %add3A_135 = arith.addi %add3A, %add3A_118 : i32
        %add3A_136 = arith.constant 2 : i32
        %add3A_137 = arith.addi %add3A_135, %add3A_136 : i32
        %dma_start3A_138 = arith.constant 1 : i32
        %dma_start3A_139 = arith.constant 0 : i32
        %dma_start3A_140 = arith.constant 0 : i32
        %dma_start3A_141 = tpu.memref_slice %arg12[%dma_start3A_138, %dma_start3A_139, %dma_start3A_140] : memref<2x2x128xi32, #tpu.memory_space<vmem>> -> memref<1x2x128xi32, #tpu.memory_space<vmem>>
        %dma_start3A_142 = tpu.memref_squeeze %dma_start3A_141 : memref<1x2x128xi32, #tpu.memory_space<vmem>> -> memref<2x128xi32, #tpu.memory_space<vmem>>
        %dma_start3A_143 = arith.constant 0 : i32
        %dma_start3A_144 = arith.constant 0 : i32
        %dma_start3A_145 = tpu.memref_slice %arg4[%add3A_137, %dma_start3A_143, %dma_start3A_144] : memref<2524x2x128xi32, #tpu.memory_space<hbm>> -> memref<1x2x128xi32, #tpu.memory_space<hbm>>
        %dma_start3A_146 = tpu.memref_squeeze %dma_start3A_145 : memref<1x2x128xi32, #tpu.memory_space<hbm>> -> memref<2x128xi32, #tpu.memory_space<hbm>>
        %dma_start3A_147 = arith.constant 0 : i32
        %dma_start3A_148 = arith.constant 0 : i32
        %dma_start3A_149 = tpu.memref_slice %arg12[%dma_start3A_138, %dma_start3A_147, %dma_start3A_148] : memref<2x2x128xi32, #tpu.memory_space<vmem>> -> memref<1x2x128xi32, #tpu.memory_space<vmem>>
        %dma_start3A_150 = tpu.memref_squeeze %dma_start3A_149 : memref<1x2x128xi32, #tpu.memory_space<vmem>> -> memref<2x128xi32, #tpu.memory_space<vmem>>
        %dma_start3A_151 = arith.constant 0 : i32
        %dma_start3A_152 = arith.constant 0 : i32
        %dma_start3A_153 = tpu.memref_slice %arg4[%add3A_137, %dma_start3A_151, %dma_start3A_152] : memref<2524x2x128xi32, #tpu.memory_space<hbm>> -> memref<1x2x128xi32, #tpu.memory_space<hbm>>
        %dma_start3A_154 = tpu.memref_squeeze %dma_start3A_153 : memref<1x2x128xi32, #tpu.memory_space<hbm>> -> memref<2x128xi32, #tpu.memory_space<hbm>>
        tpu.enqueue_dma source(%dma_start3A_154 : memref<2x128xi32, #tpu.memory_space<hbm>>) target(%dma_start3A_150 : memref<2x128xi32, #tpu.memory_space<vmem>>) target_semaphore(%arg19 : memref<!tpu.dma_semaphore, #tpu.memory_space<semaphore_mem>>)
      } else {
      }
    }
    %scan3A_54 = arith.constant 79 : i32
    %barrier3A_55 = arith.constant 0 : index
    tpu.barrier barrier_id(%barrier3A_55)
    %run_scoped3A = arith.constant 0 : i32
    "tpu.region"() ({
      %run_scoped3A_72 = tpu.sem_alloc : memref<!tpu.dma_semaphore, #tpu.memory_space<semaphore_mem>>
      %dma_start3A_73 = arith.constant 0 : i32
      %dma_start3A_74 = tpu.memref_slice %arg14[%run_scoped3A, %dma_start3A_73] : memref<1x80xi32, #tpu.memory_space<vmem>> -> memref<1x80xi32, #tpu.memory_space<vmem>>
      %dma_start3A_75 = tpu.memref_squeeze %dma_start3A_74 : memref<1x80xi32, #tpu.memory_space<vmem>> -> memref<80xi32, #tpu.memory_space<vmem>>
      %dma_start3A_76 = arith.constant 0 : i32
      %dma_start3A_77 = arith.constant 0 : i32
      %dma_start3A_78 = tpu.memref_slice %arg17[%dma_start3A_76, %dma_start3A_77] : memref<80x128xf32, #tpu.memory_space<vmem_shared>> -> memref<80x128xf32, #tpu.memory_space<vmem_shared>>
      tpu.enqueue_indirect_dma source(%arg15 : memref<80x128xf32, #tpu.memory_space<vmem>>) target(%dma_start3A_78 : memref<80x128xf32, #tpu.memory_space<vmem_shared>>) offsets(%dma_start3A_75 : memref<80xi32, #tpu.memory_space<vmem>>) semaphore(%run_scoped3A_72 : memref<!tpu.dma_semaphore, #tpu.memory_space<semaphore_mem>>) {add = true}
      %dma_wait3A = arith.constant 0 : i32
      %dma_wait3A_79 = tpu.memref_slice %arg14[%run_scoped3A, %dma_wait3A] : memref<1x80xi32, #tpu.memory_space<vmem>> -> memref<1x80xi32, #tpu.memory_space<vmem>>
      %dma_wait3A_80 = tpu.memref_squeeze %dma_wait3A_79 : memref<1x80xi32, #tpu.memory_space<vmem>> -> memref<80xi32, #tpu.memory_space<vmem>>
      %dma_wait3A_81 = arith.constant 0 : i32
      %dma_wait3A_82 = arith.constant 0 : i32
      %dma_wait3A_83 = tpu.memref_slice %arg17[%dma_wait3A_81, %dma_wait3A_82] : memref<80x128xf32, #tpu.memory_space<vmem_shared>> -> memref<80x128xf32, #tpu.memory_space<vmem_shared>>
      tpu.wait_indirect_dma semaphore(%run_scoped3A_72 : memref<!tpu.dma_semaphore, #tpu.memory_space<semaphore_mem>>) src(%arg15 : memref<80x128xf32, #tpu.memory_space<vmem>>) dst(%dma_wait3A_83 : memref<80x128xf32, #tpu.memory_space<vmem_shared>>)
      tpu.yield
    }) : () -> ()
    %barrier3A_56 = arith.constant 0 : index
    tpu.barrier barrier_id(%barrier3A_56)
    %lt3A_57 = arith.constant 10 : i32
    %lt3A_58 = arith.cmpi slt, %arg1, %lt3A_57 : i32
    %convert_element_type3A_59 = arith.extui %lt3A_58 : i1 to i32
    %cond3A_60 = arith.constant 0 : i32
    %cond3A_61 = arith.cmpi ne, %convert_element_type3A_59, %cond3A_60 : i32
    scf.if %cond3A_61 {
      %mul3A_72 = arith.constant 8 : i32
      %mul3A_73 = arith.muli %arg1, %mul3A_72 : i32
      %eq3A_74 = arith.constant 0 : i32
      %eq3A_75 = arith.cmpi eq, %arg0, %eq3A_74 : i32
      %convert_element_type3A_76 = arith.extui %eq3A_75 : i1 to i32
      %cond3A_77 = arith.constant 0 : i32
      %cond3A_78 = arith.cmpi ne, %convert_element_type3A_76, %cond3A_77 : i32
      scf.if %cond3A_78 {
        "tpu.region"() ({
          %run_scoped3A_84 = tpu.sem_alloc : memref<!tpu.dma_semaphore, #tpu.memory_space<semaphore_mem>>
          %dma_start3A_85 = arith.constant 0 : i32
          %dma_start3A_86 = tpu.memref_slice %arg10[%mul3A_73, %dma_start3A_85] : memref<80x128xf32, #tpu.memory_space<hbm>> -> memref<8x128xf32, #tpu.memory_space<hbm>>
          %dma_start3A_87 = arith.constant 0 : i32
          %dma_start3A_88 = tpu.memref_slice %arg17[%mul3A_73, %dma_start3A_87] : memref<80x128xf32, #tpu.memory_space<vmem_shared>> -> memref<8x128xf32, #tpu.memory_space<vmem_shared>>
          tpu.enqueue_dma source(%dma_start3A_88 : memref<8x128xf32, #tpu.memory_space<vmem_shared>>) target(%dma_start3A_86 : memref<8x128xf32, #tpu.memory_space<hbm>>) target_semaphore(%run_scoped3A_84 : memref<!tpu.dma_semaphore, #tpu.memory_space<semaphore_mem>>)
          %dma_wait3A = arith.constant 0 : i32
          %dma_wait3A_89 = tpu.memref_slice %arg10[%mul3A_73, %dma_wait3A] : memref<80x128xf32, #tpu.memory_space<hbm>> -> memref<8x128xf32, #tpu.memory_space<hbm>>
          %dma_wait3A_90 = arith.constant 0 : i32
          %dma_wait3A_91 = tpu.memref_slice %arg17[%mul3A_73, %dma_wait3A_90] : memref<80x128xf32, #tpu.memory_space<vmem_shared>> -> memref<8x128xf32, #tpu.memory_space<vmem_shared>>
          tpu.wait_dma2 semaphore(%run_scoped3A_84 : memref<!tpu.dma_semaphore, #tpu.memory_space<semaphore_mem>>) src(%dma_wait3A_91 : memref<8x128xf32, #tpu.memory_space<vmem_shared>>) dst(%dma_wait3A_89 : memref<8x128xf32, #tpu.memory_space<hbm>>)
          tpu.yield
        }) : () -> ()
      } else {
      }
      %eq3A_79 = arith.constant 1 : i32
      %eq3A_80 = arith.cmpi eq, %arg0, %eq3A_79 : i32
      %convert_element_type3A_81 = arith.extui %eq3A_80 : i1 to i32
      %cond3A_82 = arith.constant 0 : i32
      %cond3A_83 = arith.cmpi ne, %convert_element_type3A_81, %cond3A_82 : i32
      scf.if %cond3A_83 {
        "tpu.region"() ({
          %run_scoped3A_84 = tpu.sem_alloc : memref<!tpu.dma_semaphore, #tpu.memory_space<semaphore_mem>>
          %dma_start3A_85 = arith.constant 0 : i32
          %dma_start3A_86 = tpu.memref_slice %arg11[%mul3A_73, %dma_start3A_85] : memref<80x128xf32, #tpu.memory_space<hbm>> -> memref<8x128xf32, #tpu.memory_space<hbm>>
          %dma_start3A_87 = arith.constant 0 : i32
          %dma_start3A_88 = tpu.memref_slice %arg17[%mul3A_73, %dma_start3A_87] : memref<80x128xf32, #tpu.memory_space<vmem_shared>> -> memref<8x128xf32, #tpu.memory_space<vmem_shared>>
          tpu.enqueue_dma source(%dma_start3A_88 : memref<8x128xf32, #tpu.memory_space<vmem_shared>>) target(%dma_start3A_86 : memref<8x128xf32, #tpu.memory_space<hbm>>) target_semaphore(%run_scoped3A_84 : memref<!tpu.dma_semaphore, #tpu.memory_space<semaphore_mem>>)
          %dma_wait3A = arith.constant 0 : i32
          %dma_wait3A_89 = tpu.memref_slice %arg11[%mul3A_73, %dma_wait3A] : memref<80x128xf32, #tpu.memory_space<hbm>> -> memref<8x128xf32, #tpu.memory_space<hbm>>
          %dma_wait3A_90 = arith.constant 0 : i32
          %dma_wait3A_91 = tpu.memref_slice %arg17[%mul3A_73, %dma_wait3A_90] : memref<80x128xf32, #tpu.memory_space<vmem_shared>> -> memref<8x128xf32, #tpu.memory_space<vmem_shared>>
          tpu.wait_dma2 semaphore(%run_scoped3A_84 : memref<!tpu.dma_semaphore, #tpu.memory_space<semaphore_mem>>) src(%dma_wait3A_91 : memref<8x128xf32, #tpu.memory_space<vmem_shared>>) dst(%dma_wait3A_89 : memref<8x128xf32, #tpu.memory_space<hbm>>)
          tpu.yield
        }) : () -> ()
      } else {
      }
    } else {
    }
    %eq3A_62 = arith.constant 0 : i32
    %eq3A_63 = arith.cmpi eq, %arg0, %eq3A_62 : i32
    %convert_element_type3A_64 = arith.extui %eq3A_63 : i1 to i32
    %cond3A_65 = arith.constant 0 : i32
    %cond3A_66 = arith.cmpi ne, %convert_element_type3A_64, %cond3A_65 : i32
    scf.if %cond3A_66 {
      "tpu.region"() ({
        %run_scoped3A_77 = tpu.sem_alloc : memref<!tpu.dma_semaphore, #tpu.memory_space<semaphore_mem>>
        %dma_start3A_78 = arith.constant 0 : i32
        %dma_start3A_79 = tpu.memref_slice %arg8[%mul3A_0, %dma_start3A_78] : memref<10000x128xf32, #tpu.memory_space<hbm>> -> memref<624x128xf32, #tpu.memory_space<hbm>>
        %dma_start3A_80 = arith.constant 0 : i32
        %dma_start3A_81 = tpu.memref_slice %arg16[%mul3A_0, %dma_start3A_80] : memref<10000x128xf32, #tpu.memory_space<vmem_shared>> -> memref<624x128xf32, #tpu.memory_space<vmem_shared>>
        tpu.enqueue_dma source(%dma_start3A_81 : memref<624x128xf32, #tpu.memory_space<vmem_shared>>) target(%dma_start3A_79 : memref<624x128xf32, #tpu.memory_space<hbm>>) target_semaphore(%run_scoped3A_77 : memref<!tpu.dma_semaphore, #tpu.memory_space<semaphore_mem>>)
        %dma_wait3A = arith.constant 0 : i32
        %dma_wait3A_82 = tpu.memref_slice %arg8[%mul3A_0, %dma_wait3A] : memref<10000x128xf32, #tpu.memory_space<hbm>> -> memref<624x128xf32, #tpu.memory_space<hbm>>
        %dma_wait3A_83 = arith.constant 0 : i32
        %dma_wait3A_84 = tpu.memref_slice %arg16[%mul3A_0, %dma_wait3A_83] : memref<10000x128xf32, #tpu.memory_space<vmem_shared>> -> memref<624x128xf32, #tpu.memory_space<vmem_shared>>
        tpu.wait_dma2 semaphore(%run_scoped3A_77 : memref<!tpu.dma_semaphore, #tpu.memory_space<semaphore_mem>>) src(%dma_wait3A_84 : memref<624x128xf32, #tpu.memory_space<vmem_shared>>) dst(%dma_wait3A_82 : memref<624x128xf32, #tpu.memory_space<hbm>>)
        tpu.yield
      }) : () -> ()
      %eq3A_72 = arith.constant 15 : i32
      %eq3A_73 = arith.cmpi eq, %arg1, %eq3A_72 : i32
      %convert_element_type3A_74 = arith.extui %eq3A_73 : i1 to i32
      %cond3A_75 = arith.constant 0 : i32
      %cond3A_76 = arith.cmpi ne, %convert_element_type3A_74, %cond3A_75 : i32
      scf.if %cond3A_76 {
        "tpu.region"() ({
          %run_scoped3A_77 = tpu.sem_alloc : memref<!tpu.dma_semaphore, #tpu.memory_space<semaphore_mem>>
          %dma_start3A_78 = arith.constant 9984 : i32
          %dma_start3A_79 = arith.constant 0 : i32
          %dma_start3A_80 = tpu.memref_slice %arg8[%dma_start3A_78, %dma_start3A_79] : memref<10000x128xf32, #tpu.memory_space<hbm>> -> memref<16x128xf32, #tpu.memory_space<hbm>>
          %dma_start3A_81 = arith.constant 9984 : i32
          %dma_start3A_82 = arith.constant 0 : i32
          %dma_start3A_83 = tpu.memref_slice %arg16[%dma_start3A_81, %dma_start3A_82] : memref<10000x128xf32, #tpu.memory_space<vmem_shared>> -> memref<16x128xf32, #tpu.memory_space<vmem_shared>>
          tpu.enqueue_dma source(%dma_start3A_83 : memref<16x128xf32, #tpu.memory_space<vmem_shared>>) target(%dma_start3A_80 : memref<16x128xf32, #tpu.memory_space<hbm>>) target_semaphore(%run_scoped3A_77 : memref<!tpu.dma_semaphore, #tpu.memory_space<semaphore_mem>>)
          %dma_wait3A = arith.constant 9984 : i32
          %dma_wait3A_84 = arith.constant 0 : i32
          %dma_wait3A_85 = tpu.memref_slice %arg8[%dma_wait3A, %dma_wait3A_84] : memref<10000x128xf32, #tpu.memory_space<hbm>> -> memref<16x128xf32, #tpu.memory_space<hbm>>
          %dma_wait3A_86 = arith.constant 9984 : i32
          %dma_wait3A_87 = arith.constant 0 : i32
          %dma_wait3A_88 = tpu.memref_slice %arg16[%dma_wait3A_86, %dma_wait3A_87] : memref<10000x128xf32, #tpu.memory_space<vmem_shared>> -> memref<16x128xf32, #tpu.memory_space<vmem_shared>>
          tpu.wait_dma2 semaphore(%run_scoped3A_77 : memref<!tpu.dma_semaphore, #tpu.memory_space<semaphore_mem>>) src(%dma_wait3A_88 : memref<16x128xf32, #tpu.memory_space<vmem_shared>>) dst(%dma_wait3A_85 : memref<16x128xf32, #tpu.memory_space<hbm>>)
          tpu.yield
        }) : () -> ()
      } else {
      }
    } else {
    }
    %eq3A_67 = arith.constant 1 : i32
    %eq3A_68 = arith.cmpi eq, %arg0, %eq3A_67 : i32
    %convert_element_type3A_69 = arith.extui %eq3A_68 : i1 to i32
    %cond3A_70 = arith.constant 0 : i32
    %cond3A_71 = arith.cmpi ne, %convert_element_type3A_69, %cond3A_70 : i32
    scf.if %cond3A_71 {
      "tpu.region"() ({
        %run_scoped3A_77 = tpu.sem_alloc : memref<!tpu.dma_semaphore, #tpu.memory_space<semaphore_mem>>
        %dma_start3A_78 = arith.constant 0 : i32
        %dma_start3A_79 = tpu.memref_slice %arg9[%mul3A_0, %dma_start3A_78] : memref<10000x128xf32, #tpu.memory_space<hbm>> -> memref<624x128xf32, #tpu.memory_space<hbm>>
        %dma_start3A_80 = arith.constant 0 : i32
        %dma_start3A_81 = tpu.memref_slice %arg16[%mul3A_0, %dma_start3A_80] : memref<10000x128xf32, #tpu.memory_space<vmem_shared>> -> memref<624x128xf32, #tpu.memory_space<vmem_shared>>
        tpu.enqueue_dma source(%dma_start3A_81 : memref<624x128xf32, #tpu.memory_space<vmem_shared>>) target(%dma_start3A_79 : memref<624x128xf32, #tpu.memory_space<hbm>>) target_semaphore(%run_scoped3A_77 : memref<!tpu.dma_semaphore, #tpu.memory_space<semaphore_mem>>)
        %dma_wait3A = arith.constant 0 : i32
        %dma_wait3A_82 = tpu.memref_slice %arg9[%mul3A_0, %dma_wait3A] : memref<10000x128xf32, #tpu.memory_space<hbm>> -> memref<624x128xf32, #tpu.memory_space<hbm>>
        %dma_wait3A_83 = arith.constant 0 : i32
        %dma_wait3A_84 = tpu.memref_slice %arg16[%mul3A_0, %dma_wait3A_83] : memref<10000x128xf32, #tpu.memory_space<vmem_shared>> -> memref<624x128xf32, #tpu.memory_space<vmem_shared>>
        tpu.wait_dma2 semaphore(%run_scoped3A_77 : memref<!tpu.dma_semaphore, #tpu.memory_space<semaphore_mem>>) src(%dma_wait3A_84 : memref<624x128xf32, #tpu.memory_space<vmem_shared>>) dst(%dma_wait3A_82 : memref<624x128xf32, #tpu.memory_space<hbm>>)
        tpu.yield
      }) : () -> ()
      %eq3A_72 = arith.constant 15 : i32
      %eq3A_73 = arith.cmpi eq, %arg1, %eq3A_72 : i32
      %convert_element_type3A_74 = arith.extui %eq3A_73 : i1 to i32
      %cond3A_75 = arith.constant 0 : i32
      %cond3A_76 = arith.cmpi ne, %convert_element_type3A_74, %cond3A_75 : i32
      scf.if %cond3A_76 {
        "tpu.region"() ({
          %run_scoped3A_77 = tpu.sem_alloc : memref<!tpu.dma_semaphore, #tpu.memory_space<semaphore_mem>>
          %dma_start3A_78 = arith.constant 9984 : i32
          %dma_start3A_79 = arith.constant 0 : i32
          %dma_start3A_80 = tpu.memref_slice %arg9[%dma_start3A_78, %dma_start3A_79] : memref<10000x128xf32, #tpu.memory_space<hbm>> -> memref<16x128xf32, #tpu.memory_space<hbm>>
          %dma_start3A_81 = arith.constant 9984 : i32
          %dma_start3A_82 = arith.constant 0 : i32
          %dma_start3A_83 = tpu.memref_slice %arg16[%dma_start3A_81, %dma_start3A_82] : memref<10000x128xf32, #tpu.memory_space<vmem_shared>> -> memref<16x128xf32, #tpu.memory_space<vmem_shared>>
          tpu.enqueue_dma source(%dma_start3A_83 : memref<16x128xf32, #tpu.memory_space<vmem_shared>>) target(%dma_start3A_80 : memref<16x128xf32, #tpu.memory_space<hbm>>) target_semaphore(%run_scoped3A_77 : memref<!tpu.dma_semaphore, #tpu.memory_space<semaphore_mem>>)
          %dma_wait3A = arith.constant 9984 : i32
          %dma_wait3A_84 = arith.constant 0 : i32
          %dma_wait3A_85 = tpu.memref_slice %arg9[%dma_wait3A, %dma_wait3A_84] : memref<10000x128xf32, #tpu.memory_space<hbm>> -> memref<16x128xf32, #tpu.memory_space<hbm>>
          %dma_wait3A_86 = arith.constant 9984 : i32
          %dma_wait3A_87 = arith.constant 0 : i32
          %dma_wait3A_88 = tpu.memref_slice %arg16[%dma_wait3A_86, %dma_wait3A_87] : memref<10000x128xf32, #tpu.memory_space<vmem_shared>> -> memref<16x128xf32, #tpu.memory_space<vmem_shared>>
          tpu.wait_dma2 semaphore(%run_scoped3A_77 : memref<!tpu.dma_semaphore, #tpu.memory_space<semaphore_mem>>) src(%dma_wait3A_88 : memref<16x128xf32, #tpu.memory_space<vmem_shared>>) dst(%dma_wait3A_85 : memref<16x128xf32, #tpu.memory_space<hbm>>)
          tpu.yield
        }) : () -> ()
      } else {
      }
    } else {
    }
    return
  }
}

module attributes {stable_mosaic.version = 14 : i64} {
  func.func @_dense_x_body(%arg0: i32, %arg1: memref<2000x128xf32, #tpu.memory_space<vmem>>, %arg2: memref<256x128xf32, #tpu.memory_space<vmem>>, %arg3: memref<256xf32, #tpu.memory_space<vmem>>, %arg4: memref<256x512xf32, #tpu.memory_space<vmem>>, %arg5: memref<256xf32, #tpu.memory_space<vmem>>, %arg6: memref<64x256xf32, #tpu.memory_space<vmem>>, %arg7: memref<64xf32, #tpu.memory_space<vmem>>, %arg8: memref<2000x64xf32, #tpu.memory_space<vmem>>) attributes {dimension_semantics = [#tpu.dimension_semantics<arbitrary>], iteration_bounds = array<i64: 5>, scalar_prefetch = 0 : i64, scratch_operands = 0 : i64, tpu.core_type = #tpu.core_type<tc>, window_params = [{transform_indices = @transform_0, window_bounds = array<i64: 2000, 128>}, {pipeline_mode = #tpu.pipeline_mode<synchronous>, transform_indices = @transform_1, window_bounds = array<i64: 256, 128>}, {pipeline_mode = #tpu.pipeline_mode<synchronous>, transform_indices = @transform_2, window_bounds = array<i64: 256>}, {pipeline_mode = #tpu.pipeline_mode<synchronous>, transform_indices = @transform_3, window_bounds = array<i64: 256, 512>}, {pipeline_mode = #tpu.pipeline_mode<synchronous>, transform_indices = @transform_4, window_bounds = array<i64: 256>}, {pipeline_mode = #tpu.pipeline_mode<synchronous>, transform_indices = @transform_5, window_bounds = array<i64: 64, 256>}, {pipeline_mode = #tpu.pipeline_mode<synchronous>, transform_indices = @transform_6, window_bounds = array<i64: 64>}, {transform_indices = @transform_7, window_bounds = array<i64: 2000, 64>}]} {
    %get3A = arith.constant 0 : index
    %get3A_0 = arith.constant 0 : index
    %get3A_1 = vector.load %arg1[%get3A, %get3A_0] : memref<2000x128xf32, #tpu.memory_space<vmem>>, vector<2000x128xf32>
    %get3A_2 = arith.constant 0 : index
    %get3A_3 = arith.constant 0 : index
    %get3A_4 = vector.load %arg2[%get3A_2, %get3A_3] : memref<256x128xf32, #tpu.memory_space<vmem>>, vector<256x128xf32>
    %dot_general3A = arith.constant dense<0.000000e+00> : vector<2000x256xf32>
    %dot_general3A_5 = tpu.matmul %get3A_1, %get3A_4, %dot_general3A {dimension_numbers = #tpu.dot_dimension_numbers<[1], [1], [0], [0], [0, 0, 1, 0], [], []>, precision = #tpu.contract_precision<fp32>, transpose_lhs_hint = false} : vector<2000x128xf32>, vector<256x128xf32>, vector<2000x256xf32> -> vector<2000x256xf32>
    %get3A_6 = arith.constant 0 : index
    %get3A_7 = vector.load %arg3[%get3A_6] : memref<256xf32, #tpu.memory_space<vmem>>, vector<256xf32>
    %broadcast_in_dim3A = vector.shape_cast %get3A_7 : vector<256xf32> to vector<1x256xf32>
    %add3A = vector.broadcast %broadcast_in_dim3A : vector<1x256xf32> to vector<2000x256xf32>
    %add3A_8 = arith.addf %dot_general3A_5, %add3A : vector<2000x256xf32>
    %max3A = arith.constant 0.000000e+00 : f32
    %max3A_9 = vector.broadcast %max3A : f32 to vector<2000x256xf32>
    %max3A_10 = arith.maximumf %add3A_8, %max3A_9 : vector<2000x256xf32>
    %get3A_11 = arith.constant 0 : index
    %get3A_12 = arith.constant 0 : index
    %get3A_13 = vector.load %arg4[%get3A_11, %get3A_12] : memref<256x512xf32, #tpu.memory_space<vmem>>, vector<256x512xf32>
    %slice3A = vector.extract_strided_slice %get3A_13 {offsets = [0, 0], sizes = [256, 256], strides = [1, 1]} : vector<256x512xf32> to vector<256x256xf32>
    %get3A_14 = arith.constant 0 : index
    %get3A_15 = arith.constant 0 : index
    %get3A_16 = vector.load %arg6[%get3A_14, %get3A_15] : memref<64x256xf32, #tpu.memory_space<vmem>>, vector<64x256xf32>
    %dot_general3A_17 = arith.constant dense<0.000000e+00> : vector<256x64xf32>
    %dot_general3A_18 = tpu.matmul %slice3A, %get3A_16, %dot_general3A_17 {dimension_numbers = #tpu.dot_dimension_numbers<[0], [1], [1], [0], [0, 1, 1, 0], [], []>, precision = #tpu.contract_precision<fp32>, transpose_lhs_hint = false} : vector<256x256xf32>, vector<64x256xf32>, vector<256x64xf32> -> vector<256x64xf32>
    %get3A_19 = arith.constant 0 : index
    %get3A_20 = vector.load %arg5[%get3A_19] : memref<256xf32, #tpu.memory_space<vmem>>, vector<256xf32>
    %broadcast_in_dim3A_21 = vector.shape_cast %get3A_20 : vector<256xf32> to vector<1x256xf32>
    %get3A_22 = arith.constant 0 : index
    %get3A_23 = arith.constant 0 : index
    %get3A_24 = vector.load %arg6[%get3A_22, %get3A_23] : memref<64x256xf32, #tpu.memory_space<vmem>>, vector<64x256xf32>
    %dot_general3A_25 = arith.constant dense<0.000000e+00> : vector<1x64xf32>
    %dot_general3A_26 = tpu.matmul %broadcast_in_dim3A_21, %get3A_24, %dot_general3A_25 {dimension_numbers = #tpu.dot_dimension_numbers<[1], [1], [0], [0], [0, 0, 1, 0], [], []>, precision = #tpu.contract_precision<fp32>, transpose_lhs_hint = false} : vector<1x256xf32>, vector<64x256xf32>, vector<1x64xf32> -> vector<1x64xf32>
    %dot_general3A_27 = arith.constant dense<0.000000e+00> : vector<2000x64xf32>
    %dot_general3A_28 = tpu.matmul %max3A_10, %dot_general3A_18, %dot_general3A_27 {dimension_numbers = #tpu.dot_dimension_numbers<[1], [0], [0], [1], [0, 0, 1, 1], [], []>, precision = #tpu.contract_precision<fp32>, transpose_lhs_hint = false} : vector<2000x256xf32>, vector<256x64xf32>, vector<2000x64xf32> -> vector<2000x64xf32>
    %mul3A = arith.constant 2.000000e+00 : f32
    %mul3A_29 = vector.broadcast %mul3A : f32 to vector<2000x64xf32>
    %mul3A_30 = arith.mulf %mul3A_29, %dot_general3A_28 : vector<2000x64xf32>
    %mul3A_31 = arith.constant 2.000000e+00 : f32
    %mul3A_32 = vector.broadcast %mul3A_31 : f32 to vector<1x64xf32>
    %mul3A_33 = arith.mulf %mul3A_32, %dot_general3A_26 : vector<1x64xf32>
    %add3A_34 = vector.broadcast %mul3A_33 : vector<1x64xf32> to vector<2000x64xf32>
    %add3A_35 = arith.addf %mul3A_30, %add3A_34 : vector<2000x64xf32>
    %get3A_36 = arith.constant 0 : index
    %get3A_37 = vector.load %arg7[%get3A_36] : memref<64xf32, #tpu.memory_space<vmem>>, vector<64xf32>
    %broadcast_in_dim3A_38 = vector.shape_cast %get3A_37 : vector<64xf32> to vector<1x64xf32>
    %add3A_39 = vector.broadcast %broadcast_in_dim3A_38 : vector<1x64xf32> to vector<2000x64xf32>
    %add3A_40 = arith.addf %add3A_35, %add3A_39 : vector<2000x64xf32>
    %swap3A = arith.constant 0 : index
    %swap3A_41 = arith.constant 0 : index
    %swap3A_42 = vector.load %arg8[%swap3A, %swap3A_41] : memref<2000x64xf32, #tpu.memory_space<vmem>>, vector<2000x64xf32>
    tpu.vector_store %arg8[%swap3A, %swap3A_41], %add3A_40 {strides = array<i32>} : memref<2000x64xf32, #tpu.memory_space<vmem>>, vector<2000x64xf32>,
    return
  }
  func.func @transform_0(%arg0: i32) -> (i32, i32) {
    %c0_i32 = arith.constant 0 : i32
    %c0_i32_0 = arith.constant 0 : i32
    return %arg0, %c0_i32 : i32, i32
  }
  func.func @transform_1(%arg0: i32) -> (i32, i32) {
    %c0_i32 = arith.constant 0 : i32
    %c0_i32_0 = arith.constant 0 : i32
    %c0_i32_1 = arith.constant 0 : i32
    return %c0_i32, %c0_i32_0 : i32, i32
  }
  func.func @transform_2(%arg0: i32) -> i32 {
    %c0_i32 = arith.constant 0 : i32
    %c0_i32_0 = arith.constant 0 : i32
    return %c0_i32 : i32
  }
  func.func @transform_3(%arg0: i32) -> (i32, i32) {
    %c0_i32 = arith.constant 0 : i32
    %c0_i32_0 = arith.constant 0 : i32
    %c0_i32_1 = arith.constant 0 : i32
    return %c0_i32, %c0_i32_0 : i32, i32
  }
  func.func @transform_4(%arg0: i32) -> i32 {
    %c0_i32 = arith.constant 0 : i32
    %c0_i32_0 = arith.constant 0 : i32
    return %c0_i32 : i32
  }
  func.func @transform_5(%arg0: i32) -> (i32, i32) {
    %c0_i32 = arith.constant 0 : i32
    %c0_i32_0 = arith.constant 0 : i32
    %c0_i32_1 = arith.constant 0 : i32
    return %c0_i32, %c0_i32_0 : i32, i32
  }
  func.func @transform_6(%arg0: i32) -> i32 {
    %c0_i32 = arith.constant 0 : i32
    %c0_i32_0 = arith.constant 0 : i32
    return %c0_i32 : i32
  }
  func.func @transform_7(%arg0: i32) -> (i32, i32) {
    %c0_i32 = arith.constant 0 : i32
    %c0_i32_0 = arith.constant 0 : i32
    return %arg0, %c0_i32 : i32, i32
  }
}

module attributes {stable_mosaic.version = 14 : i64} {
  func.func @_dense_combine_body(%arg0: i32, %arg1: memref<2000x64xf32, #tpu.memory_space<vmem>>, %arg2: memref<2000x128xf32, #tpu.memory_space<vmem>>, %arg3: memref<2000x128xf32, #tpu.memory_space<vmem>>, %arg4: memref<2000x1xf32, #tpu.memory_space<vmem>>, %arg5: memref<2000x1xf32, #tpu.memory_space<vmem>>, %arg6: memref<256x512xf32, #tpu.memory_space<vmem>>, %arg7: memref<64x256xf32, #tpu.memory_space<vmem>>, %arg8: memref<2000x64xf32, #tpu.memory_space<vmem>>) attributes {dimension_semantics = [#tpu.dimension_semantics<arbitrary>], iteration_bounds = array<i64: 5>, scalar_prefetch = 0 : i64, scratch_operands = 0 : i64, tpu.core_type = #tpu.core_type<tc>, window_params = [{transform_indices = @transform_0, window_bounds = array<i64: 2000, 64>}, {transform_indices = @transform_1, window_bounds = array<i64: 2000, 128>}, {transform_indices = @transform_2, window_bounds = array<i64: 2000, 128>}, {transform_indices = @transform_3, window_bounds = array<i64: 2000, 1>}, {transform_indices = @transform_4, window_bounds = array<i64: 2000, 1>}, {pipeline_mode = #tpu.pipeline_mode<synchronous>, transform_indices = @transform_5, window_bounds = array<i64: 256, 512>}, {pipeline_mode = #tpu.pipeline_mode<synchronous>, transform_indices = @transform_6, window_bounds = array<i64: 64, 256>}, {transform_indices = @transform_7, window_bounds = array<i64: 2000, 64>}]} {
    %get3A = arith.constant 0 : index
    %get3A_0 = arith.constant 0 : index
    %get3A_1 = vector.load %arg4[%get3A, %get3A_0] : memref<2000x1xf32, #tpu.memory_space<vmem>>, vector<2000x1xf32>
    %get3A_2 = arith.constant 0 : index
    %get3A_3 = arith.constant 0 : index
    %get3A_4 = vector.load %arg5[%get3A_2, %get3A_3] : memref<2000x1xf32, #tpu.memory_space<vmem>>, vector<2000x1xf32>
    %add3A = arith.addf %get3A_1, %get3A_4 : vector<2000x1xf32>
    %max3A = arith.constant 1.000000e+00 : f32
    %max3A_5 = vector.broadcast %max3A : f32 to vector<2000x1xf32>
    %max3A_6 = arith.maximumf %add3A, %max3A_5 : vector<2000x1xf32>
    %div3A = arith.constant 1.000000e+00 : f32
    %div3A_7 = vector.broadcast %div3A : f32 to vector<2000x1xf32>
    %div3A_8 = arith.divf %div3A_7, %max3A_6 : vector<2000x1xf32>
    %add3A_9 = arith.constant 1.000000e+00 : f32
    %add3A_10 = vector.broadcast %add3A_9 : f32 to vector<2000x1xf32>
    %add3A_11 = arith.addf %add3A_10, %div3A_8 : vector<2000x1xf32>
    %get3A_12 = arith.constant 0 : index
    %get3A_13 = arith.constant 0 : index
    %get3A_14 = vector.load %arg2[%get3A_12, %get3A_13] : memref<2000x128xf32, #tpu.memory_space<vmem>>, vector<2000x128xf32>
    %mul3A = vector.broadcast %add3A_11 : vector<2000x1xf32> to vector<2000x128xf32>
    %mul3A_15 = arith.mulf %get3A_14, %mul3A : vector<2000x128xf32>
    %max3A_16 = arith.constant 0.000000e+00 : f32
    %max3A_17 = vector.broadcast %max3A_16 : f32 to vector<2000x128xf32>
    %max3A_18 = arith.maximumf %mul3A_15, %max3A_17 : vector<2000x128xf32>
    %get3A_19 = arith.constant 0 : index
    %get3A_20 = arith.constant 0 : index
    %get3A_21 = vector.load %arg3[%get3A_19, %get3A_20] : memref<2000x128xf32, #tpu.memory_space<vmem>>, vector<2000x128xf32>
    %mul3A_22 = vector.broadcast %add3A_11 : vector<2000x1xf32> to vector<2000x128xf32>
    %mul3A_23 = arith.mulf %get3A_21, %mul3A_22 : vector<2000x128xf32>
    %max3A_24 = arith.constant 0.000000e+00 : f32
    %max3A_25 = vector.broadcast %max3A_24 : f32 to vector<2000x128xf32>
    %max3A_26 = arith.maximumf %mul3A_23, %max3A_25 : vector<2000x128xf32>
    %get3A_27 = arith.constant 0 : index
    %get3A_28 = arith.constant 0 : index
    %get3A_29 = vector.load %arg6[%get3A_27, %get3A_28] : memref<256x512xf32, #tpu.memory_space<vmem>>, vector<256x512xf32>
    %slice3A = vector.extract_strided_slice %get3A_29 {offsets = [0, 256], sizes = [256, 256], strides = [1, 1]} : vector<256x512xf32> to vector<256x256xf32>
    %get3A_30 = arith.constant 0 : index
    %get3A_31 = arith.constant 0 : index
    %get3A_32 = vector.load %arg7[%get3A_30, %get3A_31] : memref<64x256xf32, #tpu.memory_space<vmem>>, vector<64x256xf32>
    %dot_general3A = arith.constant dense<0.000000e+00> : vector<256x64xf32>
    %dot_general3A_33 = tpu.matmul %slice3A, %get3A_32, %dot_general3A {dimension_numbers = #tpu.dot_dimension_numbers<[0], [1], [1], [0], [0, 1, 1, 0], [], []>, precision = #tpu.contract_precision<fp32>, transpose_lhs_hint = false} : vector<256x256xf32>, vector<64x256xf32>, vector<256x64xf32> -> vector<256x64xf32>
    %concatenate3A = tpu.concatenate %max3A_18, %max3A_26 in 1 : vector<2000x128xf32>, vector<2000x128xf32> -> vector<2000x256xf32>
    %dot_general3A_34 = arith.constant dense<0.000000e+00> : vector<2000x64xf32>
    %dot_general3A_35 = tpu.matmul %concatenate3A, %dot_general3A_33, %dot_general3A_34 {dimension_numbers = #tpu.dot_dimension_numbers<[1], [0], [0], [1], [0, 0, 1, 1], [], []>, precision = #tpu.contract_precision<fp32>, transpose_lhs_hint = false} : vector<2000x256xf32>, vector<256x64xf32>, vector<2000x64xf32> -> vector<2000x64xf32>
    %get3A_36 = arith.constant 0 : index
    %get3A_37 = arith.constant 0 : index
    %get3A_38 = vector.load %arg1[%get3A_36, %get3A_37] : memref<2000x64xf32, #tpu.memory_space<vmem>>, vector<2000x64xf32>
    %mul3A_39 = arith.constant 2.000000e+00 : f32
    %mul3A_40 = vector.broadcast %mul3A_39 : f32 to vector<2000x64xf32>
    %mul3A_41 = arith.mulf %mul3A_40, %dot_general3A_35 : vector<2000x64xf32>
    %add3A_42 = arith.addf %get3A_38, %mul3A_41 : vector<2000x64xf32>
    %swap3A = arith.constant 0 : index
    %swap3A_43 = arith.constant 0 : index
    %swap3A_44 = vector.load %arg8[%swap3A, %swap3A_43] : memref<2000x64xf32, #tpu.memory_space<vmem>>, vector<2000x64xf32>
    tpu.vector_store %arg8[%swap3A, %swap3A_43], %add3A_42 {strides = array<i32>} : memref<2000x64xf32, #tpu.memory_space<vmem>>, vector<2000x64xf32>,
    return
  }
  func.func @transform_0(%arg0: i32) -> (i32, i32) {
    %c0_i32 = arith.constant 0 : i32
    %c0_i32_0 = arith.constant 0 : i32
    return %arg0, %c0_i32 : i32, i32
  }
  func.func @transform_1(%arg0: i32) -> (i32, i32) {
    %c0_i32 = arith.constant 0 : i32
    %c0_i32_0 = arith.constant 0 : i32
    return %arg0, %c0_i32 : i32, i32
  }
  func.func @transform_2(%arg0: i32) -> (i32, i32) {
    %c0_i32 = arith.constant 0 : i32
    %c0_i32_0 = arith.constant 0 : i32
    return %arg0, %c0_i32 : i32, i32
  }
  func.func @transform_3(%arg0: i32) -> (i32, i32) {
    %c0_i32 = arith.constant 0 : i32
    %c0_i32_0 = arith.constant 0 : i32
    return %arg0, %c0_i32 : i32, i32
  }
  func.func @transform_4(%arg0: i32) -> (i32, i32) {
    %c0_i32 = arith.constant 0 : i32
    %c0_i32_0 = arith.constant 0 : i32
    return %arg0, %c0_i32 : i32, i32
  }
  func.func @transform_5(%arg0: i32) -> (i32, i32) {
    %c0_i32 = arith.constant 0 : i32
    %c0_i32_0 = arith.constant 0 : i32
    %c0_i32_1 = arith.constant 0 : i32
    return %c0_i32, %c0_i32_0 : i32, i32
  }
  func.func @transform_6(%arg0: i32) -> (i32, i32) {
    %c0_i32 = arith.constant 0 : i32
    %c0_i32_0 = arith.constant 0 : i32
    %c0_i32_1 = arith.constant 0 : i32
    return %c0_i32, %c0_i32_0 : i32, i32
  }
  func.func @transform_7(%arg0: i32) -> (i32, i32) {
    %c0_i32 = arith.constant 0 : i32
    %c0_i32_0 = arith.constant 0 : i32
    return %arg0, %c0_i32 : i32, i32
  }
}

</mosaic_0001>

<sc_bundles>
// kernel: kernel.5.cloned.1.call-start
scs
__scs_entry_jumppad:
0x0: {  	(pc) =	sbr.rel $0x88, $3  }
0x1: {  	(tag) =	ssettag $0x0;
	lr =	simm.s32 $0x1  }
0x2: {  	[smem:$0x3F98] =	sst lr;
	_ =	strace $0xD0000000  }
0x3: {  	_ = 	snop  }
0x4: {  	_ = 	snop  }
0x5: {  	_ = 	snop  }
0x6: {  	_ = 	snop  }
0x7: {  	_ = 	snop  }
__scs_overlays_trampoline_lowered:
0x8: {  	[smem:$0x3FA7] =	sst s0  }
0x9: {  	[smem:$0x3FA8] =	sst s1  }
0xa: {  	[smem:$0x3FA9] =	sst s2  }
0xb: {  	[smem:$0x3FAA] =	sst s3  }
0xc: {  	[smem:$0x3FAB] =	sst s4  }
0xd: {  	[smem:$0x3FAC] =	sst s5  }
0xe: {  	[smem:$0x3FAD] =	sst s6  }
0xf: {  	[smem:$0x3FAE] =	sst s7  }
0x10: {  	[smem:$0x3FAF] =	sst s8  }
0x11: {  	[smem:$0x3FB0] =	sst s9;
	s0 =	simm.s32 @!p0 $0x0  }
0x12: {  	s1 =	sld [smem:$0x3F96];
	s0 =	simm.s32 @p0 $0x1  }
0x13: {  	[smem:$0x3FB1] =	sst s0;
	s0 =	simm.s32 @!p1 $0x0  }
0x14: {  	s2 =	sld [smem:$0x3F95];
	s0 =	simm.s32 @p1 $0x1  }
0x15: {  	[smem:$0x3FB2] =	sst s0;
	s0 =	simm.s32 @!p2 $0x0  }
0x16: {  	s3 =	sld [smem:$0x3FDB];
	s0 =	simm.s32 @p2 $0x1  }
0x17: {  	s4 =	simm.s32 $0x1BF5;
	[smem:$0x3FB4] =	sst s0  }
0x18: {  	s0 =	sld [smem:$0x3F97];
	_ =	swait.ge [sflag:s4], $0x0  }
0x19: {  	s7 =	sld [smem:$0x3F98]  }
0x1a: {  	s8 =	sadd.s32 $0xFFFFE003, lr  }
0x1b: {  	s9 =	sadd.s32 $0xFFFFFEF7, lr;
	s5 =	simm.s32 $0xFFFFFFFF;
	p2 =	slt.u32 s8, $0xFFFFF086  }
0x1c: {  	p1 =	slt.u32 s9, $0xF7A;
	s5 =	simm.s32 @!p2 $0x0  }
0x1d: {  	s5 =	simm.s32 @p1 $0x1;
	p0 =	seq.s32 s7, s2  }
0x1e: {  	s7 =	smul.u32 @!p0 $0xF7A, s2;
	p2 =	seq.s32 @!p0 s5, $0x0  }
0x1f: {  	s9 =	smul.u32 $0xF7A, s1;
	s8 =	simm.s32 @!p0 $0x1BF5;
	p2 =	por !p2, p0  }
0x20: {  	[sflag:s8] =	ssyncset.s32 @!p0 $0xFFFFF086;
	s6 =	sadd.s32 @!p0 s3, s7;
	s7 =	simm.s32 @!p0 $0x108  }
0x21: {  	s3 =	sadd.s32 s3, s9;
	s6 =	sadd.s32 @!p0 $0x88, s6;
	s7 =	simm.s32 @p2 $0x1082  }
0x22: {  	[simem:s7], [sflag:s8] =	dma.local @!p0 [hbm:s6], $0xF7A  }
0x23: {  	s9 =	sor.u32 $0xD0000000, s2;
	s6 =	simm.s32 $0x108;
	_ =	swait.ge @!p0 [sflag:s8], $0x0  }
0x24: {  	s3 =	sadd.s32 $0x88, s3;
	s6 =	simm.s32 @!p1 $0x1082;
	[sflag:s4] =	ssyncset.s32 $0xFFFFF086  }
0x25: {  	[simem:s6], [sflag:s4] =	dma.local [hbm:s3], $0xF7A  }
0x26: {  	[smem:$0x3F98] =	sst s1;
	(tag) =	ssettag s2;
	_ =	strace s9  }
0x27: {  	s1 =	sld [smem:$0x3FA8]  }
0x28: {  	s2 =	sld [smem:$0x3FA9]  }
0x29: {  	s4 =	sld [smem:$0x3FAB]  }
0x2a: {  	p0 =	seq.s32 s5, $0x0;
	s5 =	sld [smem:$0x3FAC]  }
0x2b: {  	s6 =	sld [smem:$0x3FAD]  }
0x2c: {  	s7 =	sld [smem:$0x3FAE]  }
0x2d: {  	s3 =	simm.s32 $0x108;
	s8 =	sld [smem:$0x3FAF]  }
0x2e: {  	s3 =	simm.s32 @!p0 $0x1082;
	s9 =	sld [smem:$0x3FB0]  }
0x2f: {  	lr =	sadd.s32 s0, s3;
	s0 =	sld [smem:$0x3FA7]  }
0x30: {  	s3 =	sld [smem:$0x3FAA]  }
0x31: {  	[smem:$0x3FB3] =	sst s10  }
0x32: {  	s10 =	sld [smem:$0x3FB1];
	_ =	sdelay $0x3  }
0x33: {  	p0 =	seq.s32 s10, $0x1;
	s10 =	sld [smem:$0x3FB3];
	_ =	sdelay $0x3  }
0x34: {  	[smem:$0x3FB3] =	sst s10  }
0x35: {  	s10 =	sld [smem:$0x3FB2];
	_ =	sdelay $0x3  }
0x36: {  	p1 =	seq.s32 s10, $0x1;
	s10 =	sld [smem:$0x3FB3];
	_ =	sdelay $0x3  }
0x37: {  	[smem:$0x3FB3] =	sst s10  }
0x38: {  	s10 =	sld [smem:$0x3FB4]  }
0x39: {  	_ = 	snop;
	(pc) =	sbr.ind lr, $3  }
0x3a: {  	_ = 	snop  }
0x3b: {  	_ = 	snop  }
0x3c: {  	p2 =	seq.s32 s10, $0x1;
	s10 =	sld [smem:$0x3FB3]  }
0x3d: {  	_ =	shalt  }
0x3e: {  	_ =	shalt  }
0x3f: {  	_ =	shalt  }
0x40: {  	_ =	shalt  }
0x41: {  	_ =	shalt  }
0x42: {  	_ =	shalt  }
0x43: {  	_ =	shalt  }
0x44: {  	_ =	shalt  }
0x45: {  	_ =	shalt  }
0x46: {  	_ =	shalt  }
0x47: {  	_ =	shalt  }
0x48: {  	_ =	shalt  }
0x49: {  	_ =	shalt  }
0x4a: {  	_ =	shalt  }
0x4b: {  	_ =	shalt  }
0x4c: {  	_ =	shalt  }
0x4d: {  	_ =	shalt  }
0x4e: {  	_ =	shalt  }
0x4f: {  	_ =	shalt  }
0x50: {  	_ =	shalt  }
0x51: {  	_ =	shalt  }
0x52: {  	_ =	shalt  }
0x53: {  	_ =	shalt  }
0x54: {  	_ =	shalt  }
0x55: {  	_ =	shalt  }
0x56: {  	_ =	shalt  }
0x57: {  	_ =	shalt  }
0x58: {  	_ =	shalt  }
0x59: {  	_ =	shalt  }
0x5a: {  	_ =	shalt  }
0x5b: {  	_ =	shalt  }
0x5c: {  	_ =	shalt  }
0x5d: {  	_ =	shalt  }
0x5e: {  	_ =	shalt  }
0x5f: {  	_ =	shalt  }
0x60: {  	_ =	shalt  }
0x61: {  	_ =	shalt  }
0x62: {  	_ =	shalt  }
0x63: {  	_ =	shalt  }
0x64: {  	_ =	shalt  }
0x65: {  	_ =	shalt  }
0x66: {  	_ =	shalt  }
0x67: {  	_ =	shalt  }
0x68: {  	_ =	shalt  }
0x69: {  	_ =	shalt  }
0x6a: {  	_ =	shalt  }
0x6b: {  	_ =	shalt  }
0x6c: {  	_ =	shalt  }
0x6d: {  	_ =	shalt  }
0x6e: {  	_ =	shalt  }
0x6f: {  	_ =	shalt  }
0x70: {  	_ =	shalt  }
0x71: {  	_ =	shalt  }
0x72: {  	_ =	shalt  }
0x73: {  	_ =	shalt  }
0x74: {  	_ =	shalt  }
0x75: {  	_ =	shalt  }
0x76: {  	_ =	shalt  }
0x77: {  	_ =	shalt  }
0x78: {  	_ =	shalt  }
0x79: {  	_ =	shalt  }
0x7a: {  	_ =	shalt  }
0x7b: {  	_ =	shalt  }
0x7c: {  	_ =	shalt  }
0x7d: {  	_ =	shalt  }
0x7e: {  	_ =	shalt  }
0x7f: {  	_ =	shalt  }
0x80: {  	_ =	shalt  }
0x81: {  	_ =	shalt  }
0x82: {  	_ =	shalt  }
0x83: {  	_ =	shalt  }
0x84: {  	_ =	shalt  }
0x85: {  	_ =	shalt  }
0x86: {  	_ =	shalt  }
0x87: {  	_ =	shalt  }
.Lfunc_end0:
.L_simem_size_0:
called_computation_lowered:
.L_overlay_start_0:
0x88: {  	s2 =	sld [smem:$0x3FD9]  }
0x89: {  	s3 =	sld [smem:$0x3FFE];
	_ =	sdelay $0x1  }
0x8a: {  	s1 =	srdreg.scid  }
0x8b: {  	s0 =	sand.u32 $0x1, s1  }
0x8c: {  	s17 =	sshll.u32 s0, $0xA;
	s2 =	sadd.s32 s3, s2  }
0x8d: {  	s2 =	sadd.s32 s2, s17  }
0x8e: {  	[smem:$0x3FBF] =	sst s2  }
0x8f: {  	_ = 	snop  }
0x90: {  	s2 =	sld [smem:$0x3FD0];
	(tm) =	ssettm $0x1  }
0x91: {  	s18 =	sld [smem:$0x3FFB];
	_ =	sdelay $0x3  }
0x92: {  	_ =	strace s18  }
0x93: {  	s3 =	sld [smem:$0x3FFC];
	_ =	sdelay $0x3  }
0x94: {  	_ =	strace s3  }
0x95: {  	s3 =	sld [smem:$0x3FFD];
	_ =	sdelay $0x3  }
0x96: {  	_ =	strace s3  }
0x97: {  	_ =	strace $0x8FFFFFFF  }
0x98: {  	s19 =	sld [smem:$0x3FDB];
	_ =	sdelay $0x1  }
0x99: {  	s4 =	simm.s32 $_scs_section_size  }
0x9a: {  	s5 =	simm.s32 $_size__tile_overlayer_lowered;
	s6 =	simm.s32 $_tile_overlayer_lowered  }
0x9b: {  	s22 =	simm.s32 $0x1BFF;
	s21 =	sshll.u32 s6, $0x1;
	s3 =	sadd.s32 s4, s19  }
0x9c: {  	s7 =	simm.s32 $0x0;
	s20 =	sshll.u32 s5, $0x1;
	s5 =	sadd.s32 s21, s3  }
0x9d: {  	[timem:s7], [sflag:s22] =	dma.local [hbm:s5], s20  }
0x9e: {  	_ =	swait.ge [sflag:s22], s20  }
0x9f: {  	s4 =	ssub.s32 $0x0, s20;
	[sflag:s22] =	ssyncset.done $0x0  }
0xa0: {  	[sflag:s22] =	ssyncadd.s32 s4;
	_ =	sdelay $0x1  }
0xa1: {  	s23 =	simm.s32 $0x1B8B  }
0xa2: {  	_ =	swait.ge [sflag:s23], $0x1  }
0xa3: {  	[sflag:s23] =	ssyncset.done $0x0  }
0xa4: {  	s25 =	simm.s32 $0x1B8E;
	s24 =	sld [smem:$0x3FFE];
	[sflag:s23] =	ssyncadd.s32 $0xFFFFFFFF  }
0xa5: {  	s26 =	simm.s32 $execute0_lowered;
	[smem:$0x3FD2] =	sst s25  }
0xa6: {  	s5 =	sshll.u32 s26, $0x1;
	_ =	strace $0x80000046;
	[dreg:$0x1] =	wrdreg $0xFFFFFFFF  }
0xa7: {  	s28 =	simm.s32 $_size_execute0_lowered;
	s3 =	sadd.s32 s3, s5;
	[dreg:$0x0] =	wrdreg $0x0  }
0xa8: {  	s5 =	sshll.u32 s28, $0x1;
	[dreg:$0x2] =	wrdreg s3  }
0xa9: {  	[dreg:$0x3] =	wrdreg s5  }
0xaa: {  	[dreg:$0x4] =	wrdreg $0xC0  }
0xab: {  	_ =	task [dreg:s7], $0x5FFFF  }
0xac: {  	[dreg:$0x1] =	wrdreg $0xFFFFFFFF  }
0xad: {  	[dreg:$0x0] =	wrdreg $0x60  }
0xae: {  	[dreg:$0x2] =	wrdreg s24  }
0xaf: {  	[dreg:$0x3] =	wrdreg s2  }
0xb0: {  	[dreg:$0x4] =	wrdreg $0xAA800  }
0xb1: {  	[dreg:$0x5] =	wrdreg $0x1E3000  }
0xb2: {  	[dreg:$0x6] =	wrdreg $0x9  }
0xb3: {  	_ =	task.clear_ibuf [dreg:s7], $0x7FFFF;
	_ =	strace $0x90000046  }
0xb4: {  	s29 =	simm.s32 $0x9;
	_ =	strace $0x80000048  }
0xb5: {  	_ =	swait.ge [sflag:s29], $0x1  }
0xb6: {  	[sflag:s29] =	ssyncadd.s32 $0xFFFFFFFF  }
0xb7: {  	_ =	strace $0x90000048  }
0xb8: {  	_ =	sfence  }
0xb9: {  	s30 =	sld [smem:$0x0];
	_ =	sdelay $0x2  }
0xba: {  	s31 =	sshll.u32 s1, $0xD;
	s1 =	sshrl.u32 s1, $0x2  }
0xbb: {  	s3 =	sand.u32 $0x4000, s31;
	s1 =	sadd.s32 s1, s30  }
0xbc: {  	s0 =	sor.u32 s3, s0;
	s1 =	sshll.u32 s1, $0x11  }
0xbd: {  	s0 =	sor.u32 s1, s0  }
0xbe: {  	s0 =	sadd.s32 $0x8F2B, s0  }
0xbf: {  	[sflag:s0] =	ssyncadd.remote.s32 $0x1  }
0xc0: {  	_ =	sfence.sel $0xFFFF  }
0xc1: {  	[dreg:$0x0] =	wrdreg $0xFFFFFFFF;
	(pc) =	sbr.abs _section_cstart, $3  }
0xc2: {  	[dreg:$0x1] =	wrdreg $0xFFFFFFFF  }
0xc3: {  	_ =	task.clear_ibuf [dreg:s7], $0x2FFFF;
	_ =	strace $0x9FFFFFFF  }
0xc4: {  	(tm) =	ssettm $0x7FFFFFFF  }
0xc5: {  	_ =	shalt  }
tec
execute0_lowered:
.L_overlay_start_1:
0x0: {  	(tag) =	ssettag $0x1  }
0x1: {  	s0 =	rddreg [dreg:$0x0]  }
0x2: {  	s15 =	rddreg [dreg:$0x1]  }
0x3: {  	s1 =	rddreg [dreg:$0x2]  }
0x4: {  	s24 =	rddreg [dreg:$0x3];
	s3 =	simm.s32 $0x0  }
0x5: {  	s16 =	stileid.u32;
	s19 =	srdreg.scid;
	s28 =	simm.s32 $0x8200  }
0x6: {  	s29 =	simm.s32 $0x1;
	s30 =	simm.s32 $0x80;
	s31 =	simm.s32 $0x200  }
0x7: {  	[smem:$0x7FF] =	sst s3;
	s4 =	sadd.s32 $0x29800, s0;
	s8 =	smul.u32 $0x2700, s16  }
0x8: {  	s17 =	sadd.s32 $0x2600, s0;
	s5 =	sadd.s32 $0x51200, s0;
	s6 =	sadd.s32 $0x50C00, s0  }
0x9: {  	s2 =	sadd.s32 $0x50A00, s0;
	s9 =	sshll.u32 s16, $0x7;
	s10 =	smul.u32 $0x9C, s16  }
0xa: {  	s21 =	smin.u32 s16, $0x4;
	p0 =	slt.u32 s16, $0x4;
	s13 =	smul.u32 $0x4E000, s16  }
0xb: {  	s23 =	sshll.u32 s16, $0x6;
	s14 =	sadd.s32 $0x138000, s1;
	p2 =	sne.s32 s16, $0xF  }
0xc: {  	p1 =	sne.s32 s16, $0x0;
	p3 =	sgt.u32 s16, $0x9;
	_ =	strace $0x80000047  }
0xd: {  	[dreg:$0x5] =	wrdreg s2;
	s18 =	sadd.s32 s8, s0;
	s8 =	sand.u32 $0x1, s19  }
0xe: {  	s19 =	sadd.s32 s9, s0;
	s10 =	sadd.s32 s21, s10;
	s9 =	simm.s32 $0x9D  }
0xf: {  	s20 =	sshrl.u32 s13, $0x2;
	s13 =	sor.u32 $0x1C05, s23;
	s23 =	smul.u32 $0x1380, s16  }
0x10: {  	s11 =	ssub.s32 $0x2, s8;
	s10 =	sshll.u32 s10, $0x5;
	s9 =	simm.s32 @!p0 $0x9C  }
0x11: {  	p0 =	seq.s32 s8, $0x1;
	s26 =	sadd.s32 $0x53A00, s19;
	s7 =	sadd.s32 $0x54000, s19  }
0x12: {  	s19 =	sadd.s32 $0x54600, s18;
	p4 =	seq.s32 s8, $0x0;
	[dreg:$0x7] =	wrdreg s26  }
0x13: {  	s12 =	sshrl.u32 s11, $0x1;
	s10 =	sadd.s32 s15, s10;
	[dreg:$0x8] =	wrdreg s7  }
0x14: {  	s4 =	smov.u32 @p0 s17;
	[dreg:$0x9] =	wrdreg s19;
	s15 =	sadd.s32 s23, s15  }
0x15: {  	s23 =	sadd.s32 $0x7B800, s18;
	s17 =	simm.s32 $0x0;
	s22 =	ssub.s32 s11, s12  }
0x16: {  	s11 =	sadd.s32 $0x20, s10;
	s12 =	sadd.s32 s20, s1;
	s20 =	sshll.u32 s16, $0xA  }
0x17: {  	[dreg:$0xb] =	wrdreg s23;
	s25 =	sadd.s32 s20, s24;
	s20 =	sadd.s32 $0x7B600, s0  }
.Ltmp0:
0x18: {  	s0 =	sadd.s32 $0xA2800, s0;
	[dreg:$0x6] =	wrdreg s25;
	(pc) =	sbr.rel .LBB2_1-.Ltmp0, $4  }
0x19: {  	s22 =	smax.u32 s22, $0x1;
	[dreg:$0xa] =	wrdreg s20;
	s25 =	sshll.u32 s21, $0x5  }
0x1a: {  	[dreg:$0xc] =	wrdreg s0;
	s0 =	simm.s32 @!p4 $0x0;
	s26 =	sadd.s32 s25, s15  }
0x1b: {  	s25 =	simm.s32 $0x5;
	s0 =	simm.s32 @p4 $0x1;
	s19 =	sadd.s32 $0x60, s26  }
0x1c: {  	[smem:$0x7FD] =	sst s0;
	s26 =	simm.s32 $0x8280;
	s0 =	simm.s32 $0x3  }
.LBB2_6:
0x1d: {  	s2 =	rddreg [dreg:$0x8]  }
0x1e: {  	[hbm:s2], [sflag:s13] =	dma.local [spmem:s16], $0x80  }
0x1f: {  	_ =	swait.ge [sflag:s25], $0x80  }
0x20: {  	[sflag:s25] =	ssyncset.done $0x0  }
0x21: {  	[sflag:s25] =	ssyncadd.s32 $0xFFFFFF80  }
.LBB2_9:
0x22: {  	s2 =	rddreg [dreg:$0xb]  }
0x23: {  	[hbm:s2], [sflag:s13] =	dma.local [spmem:s15], $0x2700  }
0x24: {  	_ =	swait.ge [sflag:s25], $0x2700  }
0x25: {  	[sflag:s25] =	ssyncset.done $0x0  }
0x26: {  	s2 =	rddreg [dreg:$0xc];
	[sflag:s25] =	ssyncadd.s32 $0xFFFFD900  }
0x27: {  	[hbm:s2], [sflag:s13] =	dma.local @!p2 [spmem:s18], $0x100  }
0x28: {  	s2 =	simm.s32 @!p2 $0x5  }
0x29: {  	_ =	swait.ge @!p2 [sflag:s2], $0x100  }
0x2a: {  	[sflag:s2] =	ssyncset.done @!p2 $0x0  }
0x2b: {  	[sflag:s2] =	ssyncadd.s32 @!p2 $0xFFFFFF00  }
.LBB2_10:
0x2c: {  	s17 =	sadd.s32 $0x1, s17  }
0x2d: {  	p4 =	sne.s32 s17, s22  }
.Ltmp1:
0x2e: {  	_ = 	snop;
	(pc) =	sbr.rel @!p4 .LBB2_11-.Ltmp1, $1  }
0x2f: {  	_ =	sdelay $0x3  }
.LBB2_1:
0x30: {  	[tilespmem:s3], [sflag:$0x1] =	stream.linear.gather [hbm4b:s10+s3], $0x100, $0x38;
	[tilespmem:$0x1E580] =	vst v63  }
0x31: {  	s2 =	simm.s32 $0x100;
	s15 =	sshrl.u32 s12, $0x3  }
0x32: {  	[tilespmem:s2], [sflag:$0x2] =	stream.linear.gather [hbm4b:s11+s3], $0x100, $0x38;
	[tilespmem:$0x1E580] =	vst v63  }
0x33: {  	[spmem:s15], [sflag:s13] =	dma.local [hbm:s5], $0x2700  }
0x34: {  	_ =	swait.ge [sflag:s25], $0x2700  }
0x35: {  	[sflag:s25] =	ssyncset.done $0x0  }
0x36: {  	s18 =	sshrl.u32 @!p2 s14, $0x3;
	s16 =	simm.s32 @!p2 $0x5;
	[sflag:s25] =	ssyncadd.s32 $0xFFFFD900  }
0x37: {  	[spmem:s18], [sflag:s13] =	dma.local @!p2 [hbm:s5], $0x100  }
0x38: {  	_ =	swait.ge @!p2 [sflag:s16], $0x100  }
0x39: {  	[sflag:s16] =	ssyncset.done @!p2 $0x0  }
0x3a: {  	[sflag:s16] =	ssyncadd.s32 @!p2 $0xFFFFFF00  }
0x3b: {  	[tilespmem:s26], [sflag:$0x5] =	stream.linear.gather [hbm4b:s6+s3], $0x2800, $0x38;
	[tilespmem:$0x1E580] =	vst v63  }
0x3c: {  	_ =	swait.ge [sflag:s25], $0x2800  }
0x3d: {  	[sflag:s25] =	ssyncset.done $0x0  }
0x3e: {  	s23 =	rddreg [dreg:$0x5];
	[sflag:s25] =	ssyncadd.s32 $0xFFFFD800  }
0x3f: {  	[tilespmem:s28], [sflag:$0x5] =	stream.linear.gather [hbm4b:s23+s3], $0x80, $0x38;
	[tilespmem:$0x1E580] =	vst v63  }
0x40: {  	_ =	swait.ge [sflag:s25], $0x80  }
0x41: {  	[sflag:s25] =	ssyncset.done $0x0  }
0x42: {  	s16 =	sshrl.u32 @!p1 s24, $0x3;
	[sflag:s25] =	ssyncadd.s32 $0xFFFFFF80  }
0x43: {  	[spmem:s16], [sflag:s13] =	dma.local @!p1 [hbm:s6], $0x500  }
0x44: {  	s16 =	simm.s32 @!p1 $0x5  }
0x45: {  	_ =	swait.ge @!p1 [sflag:s16], $0x500  }
0x46: {  	[sflag:s16] =	ssyncset.done @!p1 $0x0  }
0x47: {  	s7 =	smov.u32 s24;
	s24 =	simm.s32 $0x1;
	[sflag:s16] =	ssyncadd.s32 @!p1 $0xFFFFFB00  }
0x48: {  	s23 =	smov.u32 s19;
	s16 =	simm.s32 $0x0;
	[bflag:$0x0] =	sbarrier.arrive $0xFFFF  }
.LBB2_2:
0x49: {  	_ =	swait.ge [sflag:s29], $0x100  }
0x4a: {  	p5 =	sgt.u32 s24, $0x9C;
	[sflag:s29] =	ssyncset.done $0x0  }
0x4b: {  	s20 =	simm.s32 @!p5 $0x2;
	[sflag:s29] =	ssyncadd.s32 $0xFFFFFF00  }
0x4c: {  	[tilespmem:s31], [sflag:$0x3] =	stream.indirect.gather [hbm4b:s4+s30], $0x80, s3, s30, $0xb8;
	[tilespmem:$0x1E580] =	vst v63  }
0x4d: {  	_ =	swait.ge @!p5 [sflag:s20], $0x100  }
0x4e: {  	s21 =	simm.s32 @!p5 $0x100;
	[sflag:s20] =	ssyncset.done @!p5 $0x0  }
0x4f: {  	s2 =	simm.s32 @!p5 $0x4200;
	[sflag:s20] =	ssyncadd.s32 @!p5 $0xFFFFFF00;
	s20 =	simm.s32 @!p5 $0x80  }
0x50: {  	[tilespmem:s2], [sflag:$0x4] =	stream.indirect.gather @!p5 [hbm4b:s4+s20], $0x80, s21, s20, $0xb8;
	[tilespmem:$0x1E580] =	vst v63  }
0x51: {  	s21 =	sadd.s32 $0xFFFFFFFF, s24;
	_ =	swait.ge [sflag:s0], $0x4000  }
0x52: {  	p6 =	sge.u32 s21, s9;
	[sflag:s0] =	ssyncset.done $0x0  }
0x53: {  	s2 =	simm.s32 @!p6 $0x80;
	s20 =	simm.s32 @!p6 $0x200;
	[sflag:s0] =	ssyncadd.s32 $0xFFFFC000  }
0x54: {  	[spmem:s1] =	stream.indirect.scatter.add.f32 @!p6 [tilespmem:s20], [sflag:$0x5], $0x80, s2, s2, $0xb8;
	[tilespmem:$0x1E580] =	vst v63  }
0x55: {  	s2 =	simm.s32 @!p6 $0x5  }
0x56: {  	_ =	swait.ge @!p6 [sflag:s2], $0x4000  }
0x57: {  	p4 =	sne.s32 @!p6 s8, $0x0;
	[sflag:s2] =	ssyncset.done @!p6 $0x0  }
0x58: {  	[sflag:s2] =	ssyncadd.s32 @!p6 $0xFFFFC000;
	p6 =	por p4, p6  }
0x59: {  	v0 =	vld @!p6 [tilespmem:$0x80];
	_ =	sdelay $0x6  }
0x5a: {  	v1 =	vimm.f32 @!p6 $1.000000000e+00;
	s2 =	simm.s32 @!p6 $0x8280  }
0x5b: {  	[tilespmem:v0+s2+$0x0] =	vst.idx.add.f32.msk @!p6 $0xffff, v1  }
0x5c: {  	v0 =	vld @!p6 [tilespmem:$0x90];
	_ =	sdelay $0x7  }
0x5d: {  	[tilespmem:v0+s2+$0x0] =	vst.idx.add.f32.msk @!p6 $0xffff, v1  }
0x5e: {  	v0 =	vld @!p6 [tilespmem:$0xA0];
	_ =	sdelay $0x7  }
0x5f: {  	[tilespmem:v0+s2+$0x0] =	vst.idx.add.f32.msk @!p6 $0xffff, v1  }
0x60: {  	v0 =	vld @!p6 [tilespmem:$0xB0];
	_ =	sdelay $0x7  }
0x61: {  	[tilespmem:v0+s2+$0x0] =	vst.idx.add.f32.msk @!p6 $0xffff, v1  }
0x62: {  	v0 =	vld @!p6 [tilespmem:$0xC0];
	_ =	sdelay $0x7  }
0x63: {  	[tilespmem:v0+s2+$0x0] =	vst.idx.add.f32.msk @!p6 $0xffff, v1  }
0x64: {  	v0 =	vld @!p6 [tilespmem:$0xD0];
	_ =	sdelay $0x7  }
0x65: {  	[tilespmem:v0+s2+$0x0] =	vst.idx.add.f32.msk @!p6 $0xffff, v1  }
0x66: {  	v0 =	vld @!p6 [tilespmem:$0xE0];
	_ =	sdelay $0x7  }
0x67: {  	[tilespmem:v0+s2+$0x0] =	vst.idx.add.f32.msk @!p6 $0xffff, v1  }
0x68: {  	v0 =	vld @!p6 [tilespmem:$0xF0];
	_ =	sdelay $0x6  }
0x69: {  	p4 =	seq.s32 s24, $0x9D  }
0x6a: {  	s20 =	simm.s32 @!p4 $0x0;
	[tilespmem:v0+s2+$0x0] =	vst.idx.add.f32.msk @!p6 $0xffff, v1;
	s2 =	sadd.s32 @!p4 $0xFFFFFFE0, s23  }
0x6b: {  	[tilespmem:s20], [sflag:$0x1] =	stream.linear.gather @!p4 [hbm4b:s2+s20], $0x100, $0x38;
	[tilespmem:$0x1E580] =	vst v63  }
0x6c: {  	s2 =	simm.s32 @!p5 $0x4  }
0x6d: {  	p4 =	sge.u32 s24, s9;
	_ =	swait.ge @!p5 [sflag:s2], $0x4000  }
0x6e: {  	s20 =	simm.s32 @!p4 $0x180;
	[sflag:s2] =	ssyncset.done @!p5 $0x0  }
0x6f: {  	s21 =	simm.s32 @!p4 $0x4200;
	[sflag:s2] =	ssyncadd.s32 @!p5 $0xFFFFC000;
	s2 =	simm.s32 @!p4 $0x80  }
0x70: {  	[spmem:s1] =	stream.indirect.scatter.add.f32 @!p4 [tilespmem:s21], [sflag:$0x5], $0x80, s20, s2, $0xb8;
	[tilespmem:$0x1E580] =	vst v63  }
0x71: {  	s2 =	simm.s32 @!p4 $0x5  }
0x72: {  	_ =	swait.ge @!p4 [sflag:s2], $0x4000  }
0x73: {  	p5 =	seq.s32 @!p4 s8, $0x0;
	[sflag:s2] =	ssyncset.done @!p4 $0x0  }
0x74: {  	p5 =	por p5, p4;
	[sflag:s2] =	ssyncadd.s32 @!p4 $0xFFFFC000  }
0x75: {  	v0 =	vld @!p5 [tilespmem:$0x180];
	_ =	sdelay $0x6  }
0x76: {  	v1 =	vimm.f32 @!p5 $1.000000000e+00;
	s2 =	simm.s32 @!p5 $0x8280  }
0x77: {  	[tilespmem:v0+s2+$0x0] =	vst.idx.add.f32.msk @!p5 $0xffff, v1  }
0x78: {  	v0 =	vld @!p5 [tilespmem:$0x190];
	_ =	sdelay $0x7  }
0x79: {  	[tilespmem:v0+s2+$0x0] =	vst.idx.add.f32.msk @!p5 $0xffff, v1  }
0x7a: {  	v0 =	vld @!p5 [tilespmem:$0x1A0];
	_ =	sdelay $0x7  }
0x7b: {  	[tilespmem:v0+s2+$0x0] =	vst.idx.add.f32.msk @!p5 $0xffff, v1  }
0x7c: {  	v0 =	vld @!p5 [tilespmem:$0x1B0];
	_ =	sdelay $0x7  }
0x7d: {  	[tilespmem:v0+s2+$0x0] =	vst.idx.add.f32.msk @!p5 $0xffff, v1  }
0x7e: {  	v0 =	vld @!p5 [tilespmem:$0x1C0];
	_ =	sdelay $0x7  }
0x7f: {  	[tilespmem:v0+s2+$0x0] =	vst.idx.add.f32.msk @!p5 $0xffff, v1  }
0x80: {  	v0 =	vld @!p5 [tilespmem:$0x1D0];
	_ =	sdelay $0x7  }
0x81: {  	[tilespmem:v0+s2+$0x0] =	vst.idx.add.f32.msk @!p5 $0xffff, v1  }
0x82: {  	v0 =	vld @!p5 [tilespmem:$0x1E0];
	_ =	sdelay $0x7  }
0x83: {  	[tilespmem:v0+s2+$0x0] =	vst.idx.add.f32.msk @!p5 $0xffff, v1  }
0x84: {  	v0 =	vld @!p5 [tilespmem:$0x1F0];
	_ =	sdelay $0x6  }
0x85: {  	p4 =	sgt.u32 s16, $0x4C  }
0x86: {  	s24 =	sadd.s32 $0x2, s24;
	s20 =	simm.s32 @!p4 $0x100;
	[tilespmem:v0+s2+$0x0] =	vst.idx.add.f32.msk @!p5 $0xffff, v1;
	s2 =	simm.s32 @!p4 $0x0  }
0x87: {  	[tilespmem:s20], [sflag:$0x2] =	stream.linear.gather @!p4 [hbm4b:s23+s2], $0x100, $0x38;
	[tilespmem:$0x1E580] =	vst v63  }
0x88: {  	p4 =	sne.s32 s24, $0x9F  }
.Ltmp2:
0x89: {  	_ = 	snop;
	(pc) =	sbr.rel @p4 .LBB2_2-.Ltmp2, $2  }
0x8a: {  	_ =	sdelay $0x2  }
0x8b: {  	s16 =	sadd.s32 $0x1, s16;
	s23 =	sadd.s32 $0x40, s23  }
0x8c: {  	[bflag:$0x0] =	sbarrier.arrive $0xFFFF;
	s2 =	simm.s32 $0x50  }
0x8d: {  	[spmem:s7] =	stream.indirect.scatter.add.f32 [tilespmem:s26], [sflag:$0x5], $0x80, s28, s2, $0xb8;
	[tilespmem:$0x1E580] =	vst v63  }
.Ltmp3:
0x8e: {  	_ =	swait.ge [sflag:s25], $0x2800;
	(pc) =	sbr.rel @p3 .LBB2_7-.Ltmp3, $4  }
0x8f: {  	[sflag:s25] =	ssyncset.done $0x0  }
0x90: {  	[sflag:s25] =	ssyncadd.s32 $0xFFFFD800  }
0x91: {  	[bflag:$0x0] =	sbarrier.arrive $0xFFFF  }
0x92: {  	s24 =	smov.u32 s7  }
.Ltmp4:
0x93: {  	(pc) =	sbr.rel @p0 .LBB2_6-.Ltmp4, $3  }
0x94: {  	_ =	sdelay $0x1  }
0x95: {  	s2 =	rddreg [dreg:$0x6]  }
0x96: {  	s16 =	sshrl.u32 s2, $0x3  }
.Ltmp5:
0x97: {  	s2 =	rddreg [dreg:$0x7];
	(pc) =	sbr.rel .LBB2_8-.Ltmp5, $4  }
0x98: {  	[hbm:s2], [sflag:s13] =	dma.local [spmem:s16], $0x80  }
0x99: {  	_ =	swait.ge [sflag:s25], $0x80  }
0x9a: {  	[sflag:s25] =	ssyncset.done $0x0  }
0x9b: {  	[sflag:s25] =	ssyncadd.s32 $0xFFFFFF80  }
.LBB2_7:
.Ltmp6:
0x9c: {  	(pc) =	sbr.rel @p0 .LBB2_9-.Ltmp6, $1  }
0x9d: {  	_ =	sdelay $0x3  }
.LBB2_8:
0x9e: {  	s2 =	rddreg [dreg:$0x9]  }
0x9f: {  	[hbm:s2], [sflag:s13] =	dma.local [spmem:s15], $0x2700  }
0xa0: {  	_ =	swait.ge [sflag:s25], $0x2700  }
0xa1: {  	[sflag:s25] =	ssyncset.done $0x0  }
0xa2: {  	s2 =	rddreg [dreg:$0xa];
	[sflag:s25] =	ssyncadd.s32 $0xFFFFD900  }
0xa3: {  	[hbm:s2], [sflag:s13] =	dma.local @!p2 [spmem:s18], $0x100  }
0xa4: {  	s2 =	simm.s32 @!p2 $0x5  }
0xa5: {  	_ =	swait.ge @!p2 [sflag:s2], $0x100  }
0xa6: {  	s23 =	sld [smem:$0x7FD];
	_ =	sdelay $0x2  }
0xa7: {  	p4 =	seq.s32 s23, $0x1  }
.Ltmp7:
0xa8: {  	_ = 	snop;
	(pc) =	sbr.rel @p4 .LBB2_10-.Ltmp7, $4  }
.Ltmp8:
0xa9: {  	_ = 	snop;
	(pc) =	sbr.rel @!p4 .LBB2_9-.Ltmp8, $4  }
0xaa: {  	_ = 	snop  }
0xab: {  	[sflag:s2] =	ssyncset.done @!p2 $0x0  }
0xac: {  	[sflag:s2] =	ssyncadd.s32 @!p2 $0xFFFFFF00  }
0xad: {  	_ = 	snop  }
.LBB2_11:
0xae: {  	_ =	sfence.sel $0x180000  }
0xaf: {  	[bflag:$0x0] =	sbarrier.arrive $0xFFFF  }
0xb0: {  	_ =	strace $0x90000047  }
0xb1: {  	[bflag:$0x2] =	sbarrier.arrive $0xFFFF  }
0xb2: {  	s0 =	rddreg [dreg:$0x4]  }
0xb3: {  	s0 =	sadd.s32 @!p1 $0x100000, s0  }
0xb4: {  	[sflag:s0] =	ssyncadd.tile.s32 @!p1 $0x1;
	_ =	shalt  }
.Lfunc_end2:
_tile_overlayer_lowered:
.L_overlay_start_2:
0xb5: {  	(tag) =	ssettag $0x2  }
0xb6: {  	s0 =	rddreg [dreg:$0x0];
	s2 =	stileid.u32  }
0xb7: {  	s1 =	rddreg [dreg:$0x1];
	p0 =	sne.s32 s2, $0x0  }
0xb8: {  	s3 =	rddreg [dreg:$0x2];
	[bflag:$0x3] =	sbarrier.arrive $0xFFFF;
	s2 =	simm.s32 @!p0 $0x1C05  }
0xb9: {  	[timem:s3], [sflag:s2] =	dma.local @!p0 [hbm:s0], s1  }
0xba: {  	s0 =	simm.s32 @!p0 $0x5  }
0xbb: {  	_ =	swait.ge @!p0 [sflag:s0], s1  }
0xbc: {  	s1 =	ssub.s32 @!p0 $0x0, s1;
	[sflag:s0] =	ssyncset.done @!p0 $0x0  }
0xbd: {  	[sflag:s0] =	ssyncadd.s32 @!p0 s1  }
0xbe: {  	[bflag:$0x3] =	sbarrier.arrive $0xFFFF  }
0xbf: {  	_ =	shalt  }

</sc_bundles>
